<compile_context>
chip_gen: v7x
topology: tpu7x:2x2x1
jax: 0.10.2.dev20260603
libtpu: 0.0.44.dev20260713+nightly
codegen_flags: <defaults>
</compile_context>

<pallas_src>
import jax
import jax.numpy as jnp
from jax.experimental import pallas as pl
from jax.experimental.pallas import tpu as pltpu
from jax.experimental.pallas import tpu_sc as plsc

N = 20000
K = 2000
KP = 2048
B = 256
NB = KP // B
MAX_DET = 300
DET = 512
G = 100
GP = 128
CONF_THRES = 0.25
IOU_THRES = 0.45

TD = 16
NC = 2
NS = 16
NW = NC * NS
BPW = KP // NW


def _sc_gather_body(table_hbm, idx_hbm, out_hbm, idx_v, rows_v, sem):
    wid = jax.lax.axis_index("s") * NC + jax.lax.axis_index("c")
    base = wid * BPW
    pltpu.sync_copy(idx_hbm.at[pl.ds(base, BPW)], idx_v)
    pltpu.async_copy(table_hbm.at[idx_v], rows_v, sem).wait()
    pltpu.sync_copy(rows_v, out_hbm.at[pl.ds(base, BPW)])


def _nms_body(col_ref, row_ref, gt_ref, det_ref, gtb_ref,
              keep_ref, keepc_ref, posc_ref, mask_ref):
    f32 = jnp.float32
    lane_all = jax.lax.broadcasted_iota(jnp.int32, (1, KP), 1)

    x1r = row_ref[0:1, :]
    y1r = row_ref[1:2, :]
    x2r = row_ref[2:3, :]
    y2r = row_ref[3:4, :]
    scr = row_ref[4:5, :]
    arear = row_ref[5:6, :]

    keep_ref[0:1, :] = jnp.where((scr > 0.0) & (lane_all < K), 1.0, 0.0)

    rowio = jax.lax.broadcasted_iota(jnp.int32, (B, B), 0)
    laneio = jax.lax.broadcasted_iota(jnp.int32, (B, B), 1)
    tri = jnp.where(rowio < laneio, 1.0, 0.0)
    eye = jnp.where(rowio == laneio, 1.0, 0.0)
    trir = jnp.where(laneio < rowio, 1.0, 0.0)

    cnt = jnp.zeros((1, 1), f32)
    for t in range(NB):
        s = t * B
        x1c = col_ref[s:s + B, 0:1]
        y1c = col_ref[s:s + B, 1:2]
        x2c = col_ref[s:s + B, 2:3]
        y2c = col_ref[s:s + B, 3:4]
        areac = col_ref[s:s + B, 5:6]
        w = jnp.maximum(jnp.minimum(x2c, x2r) - jnp.maximum(x1c, x1r), 0.0)
        h = jnp.maximum(jnp.minimum(y2c, y2r) - jnp.maximum(y1c, y1r), 0.0)
        inter = w * h
        iou = inter / jnp.maximum(areac + arear - inter, 1e-9)
        mask_ref[...] = jnp.where(iou > IOU_THRES, 1.0, 0.0)

        am = mask_ref[:, s:s + B] * tri
        pre = keep_ref[0:1, s:s + B]

        def f(srow):
            scol = jnp.sum(srow * eye, axis=1, keepdims=True)
            sup = jnp.max(am * scol, axis=0, keepdims=True)
            return pre * (1.0 - sup)

        lo = f(pre)
        hi = f(lo)

        def conv_cond(c):
            lo_, hi_ = c
            return jnp.sum(hi_ - lo_) > 0.0

        def conv_body(c):
            _, hi_ = c
            lo2 = f(hi_)
            return lo2, f(lo2)

        lo, hi = jax.lax.while_loop(conv_cond, conv_body, (lo, hi))
        kslice = lo
        keep_ref[0:1, s:s + B] = kslice

        kcol = jnp.sum(kslice * eye, axis=1, keepdims=True)
        keepc_ref[s:s + B, 0:1] = kcol
        poscol = jnp.sum(trir * kslice, axis=1, keepdims=True)
        posc_ref[s:s + B, 0:1] = poscol + cnt
        cnt = cnt + jnp.sum(kslice, keepdims=True)

        supall = jnp.max(mask_ref[...] * kcol, axis=0, keepdims=True)
        laterf = jnp.where(lane_all >= s + B, 1.0, 0.0)
        keep_ref[0:1, :] = keep_ref[0:1, :] * (1.0 - supall * laterf)

    nk = cnt
    srow = jax.lax.broadcasted_iota(jnp.int32, (1, DET), 1)
    srow_f = srow.astype(f32)
    pc = posc_ref[...]
    kcf = keepc_ref[...]
    onehot = jnp.where(
        (pc == srow_f) & (kcf > 0.0) & (srow < MAX_DET), 1.0, 0.0)
    x1d = jnp.sum(onehot * col_ref[:, 0:1], axis=0, keepdims=True)
    y1d = jnp.sum(onehot * col_ref[:, 1:2], axis=0, keepdims=True)
    x2d = jnp.sum(onehot * col_ref[:, 2:3], axis=0, keepdims=True)
    y2d = jnp.sum(onehot * col_ref[:, 3:4], axis=0, keepdims=True)
    sd = jnp.sum(onehot * col_ref[:, 4:5], axis=0, keepdims=True)
    vr = jnp.where(srow_f < jnp.minimum(nk, float(MAX_DET)), 1.0, 0.0)
    det_ref[0:1, :] = x1d
    det_ref[1:2, :] = y1d
    det_ref[2:3, :] = x2d
    det_ref[3:4, :] = y2d
    det_ref[4:5, :] = sd
    det_ref[5:6, :] = vr
    det_ref[6:7, :] = jnp.zeros((1, DET), f32)
    det_ref[7:8, :] = jnp.zeros((1, DET), f32)

    aread = (x2d - x1d) * (y2d - y1d)
    gx1 = gt_ref[:, 0:1]
    gy1 = gt_ref[:, 1:2]
    gx2 = gt_ref[:, 2:3]
    gy2 = gt_ref[:, 3:4]
    ga = gt_ref[:, 4:5]
    wg = jnp.maximum(jnp.minimum(gx2, x2d) - jnp.maximum(gx1, x1d), 0.0)
    hg = jnp.maximum(jnp.minimum(gy2, y2d) - jnp.maximum(gy1, y1d), 0.0)
    ig = wg * hg
    ioug = ig / jnp.maximum(ga + aread - ig, 1e-9)
    ioug = jnp.where(vr > 0.0, ioug, 0.0)
    best = jnp.max(ioug, axis=1, keepdims=True)
    gtb_ref[...] = jnp.broadcast_to(best, (GP, 8))


def kernel(boxes, scores, gt_boxes):
    f32 = jnp.float32
    xy = boxes[:, :2] * 512.0
    wh = boxes[:, 2:] * 64.0 + 1.0
    box_xyxy = jnp.concatenate([xy, xy + wh], axis=-1)
    masked = jnp.where(scores > CONF_THRES, scores, -1.0)
    top_scores, top_idx = jax.lax.top_k(masked, K)

    area_all = (box_xyxy[:, 2] - box_xyxy[:, 0]) * (box_xyxy[:, 3] - box_xyxy[:, 1])
    table = jnp.zeros((N, TD), f32)
    table = table.at[:, :4].set(box_xyxy)
    table = table.at[:, 4].set(masked)
    table = table.at[:, 5].set(area_all)

    idx = jnp.zeros((KP,), jnp.int32).at[:K].set(top_idx.astype(jnp.int32))

    gathered = pl.kernel(
        _sc_gather_body,
        out_type=jax.ShapeDtypeStruct((KP, TD), f32),
        scratch_types=[
            pltpu.VMEM((BPW,), jnp.int32),
            pltpu.VMEM((BPW, TD), f32),
            pltpu.SemaphoreType.DMA,
        ],
        mesh=plsc.VectorSubcoreMesh(core_axis_name="c", subcore_axis_name="s"),
        compiler_params=pltpu.CompilerParams(use_tc_tiling_on_sc=False),
    )(table, idx)

    colmat = gathered[:, :8]
    rowmat = colmat.T

    gxy = gt_boxes[:, :2] * 512.0
    gwh = gt_boxes[:, 2:] * 64.0 + 1.0
    gt_xyxy = jnp.concatenate([gxy, gxy + gwh], axis=-1)
    garea = (gt_xyxy[:, 2] - gt_xyxy[:, 0]) * (gt_xyxy[:, 3] - gt_xyxy[:, 1])
    gtmat = jnp.zeros((GP, 8), f32)
    gtmat = gtmat.at[:G, :4].set(gt_xyxy)
    gtmat = gtmat.at[:G, 4].set(garea)

    det, gtb = pl.pallas_call(
        _nms_body,
        out_shape=[
            jax.ShapeDtypeStruct((8, DET), f32),
            jax.ShapeDtypeStruct((GP, 8), f32),
        ],
        scratch_shapes=[
            pltpu.VMEM((1, KP), f32),
            pltpu.VMEM((KP, 1), f32),
            pltpu.VMEM((KP, 1), f32),
            pltpu.VMEM((B, KP), f32),
        ],
    )(colmat, rowmat, gtmat)

    det_boxes = det[:4, :MAX_DET].T
    det_scores = det[4, :MAX_DET]
    best_gt_iou = gtb[:G, 0]
    return jnp.concatenate([det_boxes.reshape(-1), det_scores, best_gt_iou])

# --- scband reference (transcript-rebuilt; emitter-appended) ---
"""Pipeline reference for scband-yolowrapper-89756226552376 (READ-ONLY COPY).

The authoritative reference and input builder live on the scoring server;
editing this copy changes nothing except your own understanding.
"""

import jax, jax.numpy as jnp
import numpy as np

N = 20000
K = 2000
MAX_DET = 300
G = 100
CONF_THRES = 0.25
IOU_THRES = 0.45


def _make_boxes(raw):
    # map raw uniform [0,1) values to valid xyxy boxes in a 512x512 canvas
    xy = raw[:, :2] * 512.0
    wh = raw[:, 2:] * 64.0 + 1.0
    return jnp.concatenate([xy, xy + wh], axis=-1)


def _pairwise_iou(a, b):
    # a: [M,4], b: [P,4] in xyxy -> [M,P] IoU (same math as box_iou in the torch module)
    lt = jnp.maximum(a[:, None, :2], b[None, :, :2])
    rb = jnp.minimum(a[:, None, 2:], b[None, :, 2:])
    wh = jnp.clip(rb - lt, 0.0)
    inter = wh[..., 0] * wh[..., 1]
    area_a = (a[:, 2] - a[:, 0]) * (a[:, 3] - a[:, 1])
    area_b = (b[:, 2] - b[:, 0]) * (b[:, 3] - b[:, 1])
    union = area_a[:, None] + area_b[None, :] - inter
    return inter / jnp.maximum(union, 1e-9)


def setup_inputs(seed: int = 0) -> dict:
    key = jax.random.key(seed)
    k1, k2, k3 = jax.random.split(key, 3)
    boxes = jax.random.uniform(k1, (N, 4), dtype=jnp.float32)
    scores = jax.random.uniform(k2, (N,), dtype=jnp.float32)
    gt_boxes = jax.random.uniform(k3, (G, 4), dtype=jnp.float32)
    return {"boxes": boxes, "scores": scores, "gt_boxes": gt_boxes}


def reference(boxes, scores, gt_boxes):
    box_xyxy = _make_boxes(boxes)
    # confidence filtering (conf_thres=0.25 as in the module)
    masked_scores = jnp.where(scores > CONF_THRES, scores, -1.0)
    # pre-NMS top-k by score
    top_scores, top_idx = jax.lax.top_k(masked_scores, K)
    top_boxes = box_xyxy[top_idx]
    # pairwise IoU among candidates, greedy NMS (iou_thres=0.45)
    iou = _pairwise_iou(top_boxes, top_boxes)
    ar = jnp.arange(K)
    valid0 = top_scores > 0.0

    def body(keep, i):
        sup = (iou[i] > IOU_THRES) & (ar > i) & keep[i]
        return keep & (~sup), None

    keep, _ = jax.lax.scan(body, valid0, ar)
    # gather up to MAX_DET survivors in score order
    order = jnp.sort(jnp.where(keep, ar, K))[:MAX_DET]
    det_valid = (order < K)
    order = jnp.minimum(order, K - 1)
    det_boxes = top_boxes[order] * det_valid[:, None].astype(jnp.float32)
    det_scores = top_scores[order] * det_valid.astype(jnp.float32)
    # match ground truth to kept predictions (best IoU per GT, as in match_targets_to_preds)
    gt_xyxy = _make_boxes(gt_boxes)
    gt_iou = _pairwise_iou(gt_xyxy, det_boxes)
    gt_iou = jnp.where(det_valid[None, :], gt_iou, 0.0)
    best_gt_iou = gt_iou.max(axis=1)
    return jnp.concatenate([det_boxes.reshape(-1), det_scores, best_gt_iou])

if __name__ == "__main__":
    import jax
    _d = setup_inputs()
    print(jax.jit(kernel)(*tuple(_d.values())))

</pallas_src>

<mosaic_0001>
#map = affine_map<(d0, d1) -> (0, 0)>
#map1 = affine_map<(d0, d1) -> (0)>
module attributes {stable_mosaic.version = 14 : i64} {
  func.func @_sc_gather_body(%arg0: i32, %arg1: i32, %arg2: memref<20000x16xf32, #tpu.memory_space<hbm>>, %arg3: memref<2048xi32, #tpu.memory_space<hbm>>, %arg4: memref<2048x16xf32, #tpu.memory_space<hbm>>, %arg5: memref<64xi32, #tpu.memory_space<vmem>>, %arg6: memref<64x16xf32, #tpu.memory_space<vmem>>, %arg7: memref<!tpu.dma_semaphore, #tpu.memory_space<semaphore_mem>>) attributes {dimension_semantics = [#tpu.dimension_semantics<core_parallel>, #tpu.dimension_semantics<subcore_parallel>], iteration_bounds = array<i64: 2, 16>, scalar_prefetch = 0 : i64, scratch_operands = 3 : i64, tpu.core_type = #tpu.core_type<sc_vector_subcore>, window_params = [{transform_indices = #map}, {transform_indices = #map1}, {transform_indices = #map}]} {
    %mul3A = arith.constant 2 : i32
    %mul3A_0 = arith.muli %arg1, %mul3A : i32
    %add3A = arith.addi %mul3A_0, %arg0 : i32
    %mul3A_1 = arith.constant 64 : i32
    %mul3A_2 = arith.muli %add3A, %mul3A_1 : i32
    "tpu.region"() ({
      %run_scoped3A = tpu.sem_alloc : memref<!tpu.dma_semaphore, #tpu.memory_space<semaphore_mem>>
      %dma_start3A_7 = tpu.memref_slice %arg3[%mul3A_2] : memref<2048xi32, #tpu.memory_space<hbm>> -> memref<64xi32, #tpu.memory_space<hbm>>
      %dma_start3A_8 = tpu.memref_slice %arg3[%mul3A_2] : memref<2048xi32, #tpu.memory_space<hbm>> -> memref<64xi32, #tpu.memory_space<hbm>>
      tpu.enqueue_dma source(%dma_start3A_8 : memref<64xi32, #tpu.memory_space<hbm>>) target(%arg5 : memref<64xi32, #tpu.memory_space<vmem>>) target_semaphore(%run_scoped3A : memref<!tpu.dma_semaphore, #tpu.memory_space<semaphore_mem>>)
      %dma_wait3A_9 = tpu.memref_slice %arg3[%mul3A_2] : memref<2048xi32, #tpu.memory_space<hbm>> -> memref<64xi32, #tpu.memory_space<hbm>>
      %dma_wait3A_10 = tpu.memref_slice %arg3[%mul3A_2] : memref<2048xi32, #tpu.memory_space<hbm>> -> memref<64xi32, #tpu.memory_space<hbm>>
      tpu.wait_dma2 semaphore(%run_scoped3A : memref<!tpu.dma_semaphore, #tpu.memory_space<semaphore_mem>>) src(%dma_wait3A_10 : memref<64xi32, #tpu.memory_space<hbm>>) dst(%arg5 : memref<64xi32, #tpu.memory_space<vmem>>)
      tpu.yield
    }) : () -> ()
    %dma_start3A = arith.constant 0 : i32
    %dma_start3A_3 = arith.constant 0 : i32
    %dma_start3A_4 = tpu.memref_slice %arg2[%dma_start3A, %dma_start3A_3] : memref<20000x16xf32, #tpu.memory_space<hbm>> -> memref<20000x16xf32, #tpu.memory_space<hbm>>
    tpu.enqueue_indirect_dma source(%dma_start3A_4 : memref<20000x16xf32, #tpu.memory_space<hbm>>) target(%arg6 : memref<64x16xf32, #tpu.memory_space<vmem>>) offsets(%arg5 : memref<64xi32, #tpu.memory_space<vmem>>) semaphore(%arg7 : memref<!tpu.dma_semaphore, #tpu.memory_space<semaphore_mem>>)
    %dma_wait3A = arith.constant 0 : i32
    %dma_wait3A_5 = arith.constant 0 : i32
    %dma_wait3A_6 = tpu.memref_slice %arg2[%dma_wait3A, %dma_wait3A_5] : memref<20000x16xf32, #tpu.memory_space<hbm>> -> memref<20000x16xf32, #tpu.memory_space<hbm>>
    tpu.wait_indirect_dma semaphore(%arg7 : memref<!tpu.dma_semaphore, #tpu.memory_space<semaphore_mem>>) src(%dma_wait3A_6 : memref<20000x16xf32, #tpu.memory_space<hbm>>) dst(%arg6 : memref<64x16xf32, #tpu.memory_space<vmem>>)
    "tpu.region"() ({
      %run_scoped3A = tpu.sem_alloc : memref<!tpu.dma_semaphore, #tpu.memory_space<semaphore_mem>>
      %dma_start3A_7 = arith.constant 0 : i32
      %dma_start3A_8 = tpu.memref_slice %arg4[%mul3A_2, %dma_start3A_7] : memref<2048x16xf32, #tpu.memory_space<hbm>> -> memref<64x16xf32, #tpu.memory_space<hbm>>
      %dma_start3A_9 = arith.constant 0 : i32
      %dma_start3A_10 = tpu.memref_slice %arg4[%mul3A_2, %dma_start3A_9] : memref<2048x16xf32, #tpu.memory_space<hbm>> -> memref<64x16xf32, #tpu.memory_space<hbm>>
      tpu.enqueue_dma source(%arg6 : memref<64x16xf32, #tpu.memory_space<vmem>>) target(%dma_start3A_10 : memref<64x16xf32, #tpu.memory_space<hbm>>) target_semaphore(%run_scoped3A : memref<!tpu.dma_semaphore, #tpu.memory_space<semaphore_mem>>)
      %dma_wait3A_11 = arith.constant 0 : i32
      %dma_wait3A_12 = tpu.memref_slice %arg4[%mul3A_2, %dma_wait3A_11] : memref<2048x16xf32, #tpu.memory_space<hbm>> -> memref<64x16xf32, #tpu.memory_space<hbm>>
      %dma_wait3A_13 = arith.constant 0 : i32
      %dma_wait3A_14 = tpu.memref_slice %arg4[%mul3A_2, %dma_wait3A_13] : memref<2048x16xf32, #tpu.memory_space<hbm>> -> memref<64x16xf32, #tpu.memory_space<hbm>>
      tpu.wait_dma2 semaphore(%run_scoped3A : memref<!tpu.dma_semaphore, #tpu.memory_space<semaphore_mem>>) src(%arg6 : memref<64x16xf32, #tpu.memory_space<vmem>>) dst(%dma_wait3A_14 : memref<64x16xf32, #tpu.memory_space<hbm>>)
      tpu.yield
    }) : () -> ()
    return
  }
}

module attributes {stable_mosaic.version = 14 : i64} {
  func.func @_nms_body(%arg0: memref<2048x8xf32, #tpu.memory_space<vmem>>, %arg1: memref<8x2048xf32, #tpu.memory_space<vmem>>, %arg2: memref<128x8xf32, #tpu.memory_space<vmem>>, %arg3: memref<8x512xf32, #tpu.memory_space<vmem>>, %arg4: memref<128x8xf32, #tpu.memory_space<vmem>>, %arg5: memref<1x2048xf32, #tpu.memory_space<vmem>>, %arg6: memref<2048x1xf32, #tpu.memory_space<vmem>>, %arg7: memref<2048x1xf32, #tpu.memory_space<vmem>>, %arg8: memref<256x2048xf32, #tpu.memory_space<vmem>>) attributes {dimension_semantics = [], scalar_prefetch = 0 : i64, scratch_operands = 4 : i64, tpu.core_type = #tpu.core_type<tc>} {
    %iota3A = tpu.iota {dimensions = array<i32: 1>} : vector<1x2048xi32>
    %get3A = arith.constant 0 : index
    %get3A_0 = arith.constant 0 : index
    %get3A_1 = vector.load %arg1[%get3A, %get3A_0] : memref<8x2048xf32, #tpu.memory_space<vmem>>, vector<1x2048xf32>
    %get3A_2 = arith.constant 1 : index
    %get3A_3 = arith.constant 0 : index
    %get3A_4 = vector.load %arg1[%get3A_2, %get3A_3] : memref<8x2048xf32, #tpu.memory_space<vmem>>, vector<1x2048xf32>
    %get3A_5 = arith.constant 2 : index
    %get3A_6 = arith.constant 0 : index
    %get3A_7 = vector.load %arg1[%get3A_5, %get3A_6] : memref<8x2048xf32, #tpu.memory_space<vmem>>, vector<1x2048xf32>
    %get3A_8 = arith.constant 3 : index
    %get3A_9 = arith.constant 0 : index
    %get3A_10 = vector.load %arg1[%get3A_8, %get3A_9] : memref<8x2048xf32, #tpu.memory_space<vmem>>, vector<1x2048xf32>
    %get3A_11 = arith.constant 4 : index
    %get3A_12 = arith.constant 0 : index
    %get3A_13 = vector.load %arg1[%get3A_11, %get3A_12] : memref<8x2048xf32, #tpu.memory_space<vmem>>, vector<1x2048xf32>
    %get3A_14 = arith.constant 5 : index
    %get3A_15 = arith.constant 0 : index
    %get3A_16 = vector.load %arg1[%get3A_14, %get3A_15] : memref<8x2048xf32, #tpu.memory_space<vmem>>, vector<1x2048xf32>
    %gt3A = arith.constant 0.000000e+00 : f32
    %gt3A_17 = vector.broadcast %gt3A : f32 to vector<1x2048xf32>
    %gt3A_18 = arith.cmpf ogt, %get3A_13, %gt3A_17 : vector<1x2048xf32>
    %lt3A = arith.constant 2000 : i32
    %lt3A_19 = vector.broadcast %lt3A : i32 to vector<1x2048xi32>
    %lt3A_20 = arith.cmpi slt, %iota3A, %lt3A_19 : vector<1x2048xi32>
    %and3A = arith.andi %gt3A_18, %lt3A_20 : vector<1x2048xi1>
    %jit3A = arith.constant 1.000000e+00 : f32
    %jit3A_21 = arith.constant 0.000000e+00 : f32
    %broadcast_in_dim3A = vector.broadcast %jit3A : f32 to vector<1x2048xf32>
    %broadcast_in_dim3A_22 = vector.broadcast %jit3A_21 : f32 to vector<1x2048xf32>
    %select_n3A = arith.select %and3A, %broadcast_in_dim3A, %broadcast_in_dim3A_22 : vector<1x2048xi1>, vector<1x2048xf32>
    %swap3A = arith.constant 0 : index
    %swap3A_23 = arith.constant 0 : index
    %swap3A_24 = vector.load %arg5[%swap3A, %swap3A_23] : memref<1x2048xf32, #tpu.memory_space<vmem>>, vector<1x2048xf32>
    tpu.vector_store %arg5[%swap3A, %swap3A_23], %select_n3A {strides = array<i32>} : memref<1x2048xf32, #tpu.memory_space<vmem>>, vector<1x2048xf32>,
    %iota3A_25 = tpu.iota {dimensions = array<i32: 0>} : vector<256x256xi32>
    %iota3A_26 = tpu.iota {dimensions = array<i32: 1>} : vector<256x256xi32>
    %lt3A_27 = arith.cmpi slt, %iota3A_25, %iota3A_26 : vector<256x256xi32>
    %jit3A_28 = arith.constant 1.000000e+00 : f32
    %jit3A_29 = arith.constant 0.000000e+00 : f32
    %broadcast_in_dim3A_30 = vector.broadcast %jit3A_28 : f32 to vector<256x256xf32>
    %broadcast_in_dim3A_31 = vector.broadcast %jit3A_29 : f32 to vector<256x256xf32>
    %select_n3A_32 = arith.select %lt3A_27, %broadcast_in_dim3A_30, %broadcast_in_dim3A_31 : vector<256x256xi1>, vector<256x256xf32>
    %eq3A = arith.cmpi eq, %iota3A_25, %iota3A_26 : vector<256x256xi32>
    %jit3A_33 = arith.constant 1.000000e+00 : f32
    %jit3A_34 = arith.constant 0.000000e+00 : f32
    %broadcast_in_dim3A_35 = vector.broadcast %jit3A_33 : f32 to vector<256x256xf32>
    %broadcast_in_dim3A_36 = vector.broadcast %jit3A_34 : f32 to vector<256x256xf32>
    %select_n3A_37 = arith.select %eq3A, %broadcast_in_dim3A_35, %broadcast_in_dim3A_36 : vector<256x256xi1>, vector<256x256xf32>
    %lt3A_38 = arith.cmpi slt, %iota3A_26, %iota3A_25 : vector<256x256xi32>
    %jit3A_39 = arith.constant 1.000000e+00 : f32
    %jit3A_40 = arith.constant 0.000000e+00 : f32
    %broadcast_in_dim3A_41 = vector.broadcast %jit3A_39 : f32 to vector<256x256xf32>
    %broadcast_in_dim3A_42 = vector.broadcast %jit3A_40 : f32 to vector<256x256xf32>
    %select_n3A_43 = arith.select %lt3A_38, %broadcast_in_dim3A_41, %broadcast_in_dim3A_42 : vector<256x256xi1>, vector<256x256xf32>
    %broadcast_in_dim3A_44 = arith.constant 0.000000e+00 : f32
    %broadcast_in_dim3A_45 = vector.broadcast %broadcast_in_dim3A_44 : f32 to vector<1x1xf32>
    %get3A_46 = arith.constant 0 : index
    %get3A_47 = arith.constant 0 : index
    %get3A_48 = vector.load %arg0[%get3A_46, %get3A_47] : memref<2048x8xf32, #tpu.memory_space<vmem>>, vector<256x1xf32>
    %get3A_49 = arith.constant 0 : index
    %get3A_50 = arith.constant 1 : index
    %get3A_51 = vector.load %arg0[%get3A_49, %get3A_50] : memref<2048x8xf32, #tpu.memory_space<vmem>>, vector<256x1xf32>
    %get3A_52 = arith.constant 0 : index
    %get3A_53 = arith.constant 2 : index
    %get3A_54 = vector.load %arg0[%get3A_52, %get3A_53] : memref<2048x8xf32, #tpu.memory_space<vmem>>, vector<256x1xf32>
    %get3A_55 = arith.constant 0 : index
    %get3A_56 = arith.constant 3 : index
    %get3A_57 = vector.load %arg0[%get3A_55, %get3A_56] : memref<2048x8xf32, #tpu.memory_space<vmem>>, vector<256x1xf32>
    %get3A_58 = arith.constant 0 : index
    %get3A_59 = arith.constant 5 : index
    %get3A_60 = vector.load %arg0[%get3A_58, %get3A_59] : memref<2048x8xf32, #tpu.memory_space<vmem>>, vector<256x1xf32>
    %min3A = vector.broadcast %get3A_54 : vector<256x1xf32> to vector<256x2048xf32>
    %min3A_61 = vector.broadcast %get3A_7 : vector<1x2048xf32> to vector<256x2048xf32>
    %min3A_62 = arith.minimumf %min3A, %min3A_61 : vector<256x2048xf32>
    %max3A = vector.broadcast %get3A_48 : vector<256x1xf32> to vector<256x2048xf32>
    %max3A_63 = vector.broadcast %get3A_1 : vector<1x2048xf32> to vector<256x2048xf32>
    %max3A_64 = arith.maximumf %max3A, %max3A_63 : vector<256x2048xf32>
    %sub3A = arith.subf %min3A_62, %max3A_64 : vector<256x2048xf32>
    %max3A_65 = arith.constant 0.000000e+00 : f32
    %max3A_66 = vector.broadcast %max3A_65 : f32 to vector<256x2048xf32>
    %max3A_67 = arith.maximumf %sub3A, %max3A_66 : vector<256x2048xf32>
    %min3A_68 = vector.broadcast %get3A_57 : vector<256x1xf32> to vector<256x2048xf32>
    %min3A_69 = vector.broadcast %get3A_10 : vector<1x2048xf32> to vector<256x2048xf32>
    %min3A_70 = arith.minimumf %min3A_68, %min3A_69 : vector<256x2048xf32>
    %max3A_71 = vector.broadcast %get3A_51 : vector<256x1xf32> to vector<256x2048xf32>
    %max3A_72 = vector.broadcast %get3A_4 : vector<1x2048xf32> to vector<256x2048xf32>
    %max3A_73 = arith.maximumf %max3A_71, %max3A_72 : vector<256x2048xf32>
    %sub3A_74 = arith.subf %min3A_70, %max3A_73 : vector<256x2048xf32>
    %max3A_75 = arith.constant 0.000000e+00 : f32
    %max3A_76 = vector.broadcast %max3A_75 : f32 to vector<256x2048xf32>
    %max3A_77 = arith.maximumf %sub3A_74, %max3A_76 : vector<256x2048xf32>
    %mul3A = arith.mulf %max3A_67, %max3A_77 : vector<256x2048xf32>
    %add3A = vector.broadcast %get3A_60 : vector<256x1xf32> to vector<256x2048xf32>
    %add3A_78 = vector.broadcast %get3A_16 : vector<1x2048xf32> to vector<256x2048xf32>
    %add3A_79 = arith.addf %add3A, %add3A_78 : vector<256x2048xf32>
    %sub3A_80 = arith.subf %add3A_79, %mul3A : vector<256x2048xf32>
    %max3A_81 = arith.constant 9.99999971E-10 : f32
    %max3A_82 = vector.broadcast %max3A_81 : f32 to vector<256x2048xf32>
    %max3A_83 = arith.maximumf %sub3A_80, %max3A_82 : vector<256x2048xf32>
    %div3A = arith.divf %mul3A, %max3A_83 : vector<256x2048xf32>
    %gt3A_84 = arith.constant 4.500000e-01 : f32
    %gt3A_85 = vector.broadcast %gt3A_84 : f32 to vector<256x2048xf32>
    %gt3A_86 = arith.cmpf ogt, %div3A, %gt3A_85 : vector<256x2048xf32>
    %jit3A_87 = arith.constant 1.000000e+00 : f32
    %jit3A_88 = arith.constant 0.000000e+00 : f32
    %broadcast_in_dim3A_89 = vector.broadcast %jit3A_87 : f32 to vector<256x2048xf32>
    %broadcast_in_dim3A_90 = vector.broadcast %jit3A_88 : f32 to vector<256x2048xf32>
    %select_n3A_91 = arith.select %gt3A_86, %broadcast_in_dim3A_89, %broadcast_in_dim3A_90 : vector<256x2048xi1>, vector<256x2048xf32>
    %swap3A_92 = arith.constant 0 : index
    %swap3A_93 = arith.constant 0 : index
    %swap3A_94 = vector.load %arg8[%swap3A_92, %swap3A_93] : memref<256x2048xf32, #tpu.memory_space<vmem>>, vector<256x2048xf32>
    tpu.vector_store %arg8[%swap3A_92, %swap3A_93], %select_n3A_91 {strides = array<i32>} : memref<256x2048xf32, #tpu.memory_space<vmem>>, vector<256x2048xf32>,
    %get3A_95 = arith.constant 0 : index
    %get3A_96 = arith.constant 0 : index
    %get3A_97 = vector.load %arg8[%get3A_95, %get3A_96] : memref<256x2048xf32, #tpu.memory_space<vmem>>, vector<256x256xf32>
    %mul3A_98 = arith.mulf %get3A_97, %select_n3A_32 : vector<256x256xf32>
    %get3A_99 = arith.constant 0 : index
    %get3A_100 = arith.constant 0 : index
    %get3A_101 = vector.load %arg5[%get3A_99, %get3A_100] : memref<1x2048xf32, #tpu.memory_space<vmem>>, vector<1x256xf32>
    %mul3A_102 = vector.broadcast %get3A_101 : vector<1x256xf32> to vector<256x256xf32>
    %mul3A_103 = arith.mulf %mul3A_102, %select_n3A_37 : vector<256x256xf32>
    %reduce_sum3A = arith.constant dense<0.000000e+00> : vector<256xf32>
    %reduce_sum3A_104 = vector.multi_reduction <add>, %mul3A_103, %reduce_sum3A [1] : vector<256x256xf32> to vector<256xf32>
    %broadcast_in_dim3A_105 = vector.shape_cast %reduce_sum3A_104 : vector<256xf32> to vector<256x1xf32>
    %mul3A_106 = vector.broadcast %broadcast_in_dim3A_105 : vector<256x1xf32> to vector<256x256xf32>
    %mul3A_107 = arith.mulf %mul3A_98, %mul3A_106 : vector<256x256xf32>
    %reduce_max3A = arith.constant dense<0xFF800000> : vector<256xf32>
    %reduce_max3A_108 = vector.multi_reduction <maximumf>, %mul3A_107, %reduce_max3A [0] : vector<256x256xf32> to vector<256xf32>
    %broadcast_in_dim3A_109 = vector.shape_cast %reduce_max3A_108 : vector<256xf32> to vector<1x256xf32>
    %sub3A_110 = arith.constant 1.000000e+00 : f32
    %sub3A_111 = vector.broadcast %sub3A_110 : f32 to vector<1x256xf32>
    %sub3A_112 = arith.subf %sub3A_111, %broadcast_in_dim3A_109 : vector<1x256xf32>
    %mul3A_113 = arith.mulf %get3A_101, %sub3A_112 : vector<1x256xf32>
    %mul3A_114 = vector.broadcast %mul3A_113 : vector<1x256xf32> to vector<256x256xf32>
    %mul3A_115 = arith.mulf %mul3A_114, %select_n3A_37 : vector<256x256xf32>
    %reduce_sum3A_116 = arith.constant dense<0.000000e+00> : vector<256xf32>
    %reduce_sum3A_117 = vector.multi_reduction <add>, %mul3A_115, %reduce_sum3A_116 [1] : vector<256x256xf32> to vector<256xf32>
    %broadcast_in_dim3A_118 = vector.shape_cast %reduce_sum3A_117 : vector<256xf32> to vector<256x1xf32>
    %mul3A_119 = vector.broadcast %broadcast_in_dim3A_118 : vector<256x1xf32> to vector<256x256xf32>
    %mul3A_120 = arith.mulf %mul3A_98, %mul3A_119 : vector<256x256xf32>
    %reduce_max3A_121 = arith.constant dense<0xFF800000> : vector<256xf32>
    %reduce_max3A_122 = vector.multi_reduction <maximumf>, %mul3A_120, %reduce_max3A_121 [0] : vector<256x256xf32> to vector<256xf32>
    %broadcast_in_dim3A_123 = vector.shape_cast %reduce_max3A_122 : vector<256xf32> to vector<1x256xf32>
    %sub3A_124 = arith.constant 1.000000e+00 : f32
    %sub3A_125 = vector.broadcast %sub3A_124 : f32 to vector<1x256xf32>
    %sub3A_126 = arith.subf %sub3A_125, %broadcast_in_dim3A_123 : vector<1x256xf32>
    %mul3A_127 = arith.mulf %get3A_101, %sub3A_126 : vector<1x256xf32>
    %while3A:2 = scf.while (%while3A_1370 = %mul3A_113, %while3A_1371 = %mul3A_127) : (vector<1x256xf32>, vector<1x256xf32>) -> (vector<1x256xf32>, vector<1x256xf32>) {
      %sub3A_1372 = arith.subf %while3A_1371, %while3A_1370 : vector<1x256xf32>
      %reduce_sum3A_1373 = vector.shape_cast %sub3A_1372 : vector<1x256xf32> to vector<1x1x256xf32>
      %reduce_sum3A_1374 = arith.constant dense<0.000000e+00> : vector<1xf32>
      %reduce_sum3A_1375 = vector.multi_reduction <add>, %reduce_sum3A_1373, %reduce_sum3A_1374 [1, 2] : vector<1x1x256xf32> to vector<1xf32>
      %reduce_sum3A_1376 = vector.shape_cast %reduce_sum3A_1375 : vector<1xf32> to vector<1x1x1xf32>
      %reduce_sum3A_1377 = vector.extract %reduce_sum3A_1376[0, 0, 0] : f32 from vector<1x1x1xf32>
      %gt3A_1378 = arith.constant 0.000000e+00 : f32
      %gt3A_1379 = arith.cmpf ogt, %reduce_sum3A_1377, %gt3A_1378 : f32
      scf.condition(%gt3A_1379) %while3A_1370, %while3A_1371 : vector<1x256xf32>, vector<1x256xf32>
    } do {
    ^bb0(%while3A_1370: vector<1x256xf32>, %while3A_1371: vector<1x256xf32>):
      %mul3A_1372 = vector.broadcast %while3A_1371 : vector<1x256xf32> to vector<256x256xf32>
      %mul3A_1373 = arith.mulf %mul3A_1372, %select_n3A_37 : vector<256x256xf32>
      %reduce_sum3A_1374 = arith.constant dense<0.000000e+00> : vector<256xf32>
      %reduce_sum3A_1375 = vector.multi_reduction <add>, %mul3A_1373, %reduce_sum3A_1374 [1] : vector<256x256xf32> to vector<256xf32>
      %broadcast_in_dim3A_1376 = vector.shape_cast %reduce_sum3A_1375 : vector<256xf32> to vector<256x1xf32>
      %mul3A_1377 = vector.broadcast %broadcast_in_dim3A_1376 : vector<256x1xf32> to vector<256x256xf32>
      %mul3A_1378 = arith.mulf %mul3A_98, %mul3A_1377 : vector<256x256xf32>
      %reduce_max3A_1379 = arith.constant dense<0xFF800000> : vector<256xf32>
      %reduce_max3A_1380 = vector.multi_reduction <maximumf>, %mul3A_1378, %reduce_max3A_1379 [0] : vector<256x256xf32> to vector<256xf32>
      %broadcast_in_dim3A_1381 = vector.shape_cast %reduce_max3A_1380 : vector<256xf32> to vector<1x256xf32>
      %sub3A_1382 = arith.constant 1.000000e+00 : f32
      %sub3A_1383 = vector.broadcast %sub3A_1382 : f32 to vector<1x256xf32>
      %sub3A_1384 = arith.subf %sub3A_1383, %broadcast_in_dim3A_1381 : vector<1x256xf32>
      %mul3A_1385 = arith.mulf %get3A_101, %sub3A_1384 : vector<1x256xf32>
      %mul3A_1386 = vector.broadcast %mul3A_1385 : vector<1x256xf32> to vector<256x256xf32>
      %mul3A_1387 = arith.mulf %mul3A_1386, %select_n3A_37 : vector<256x256xf32>
      %reduce_sum3A_1388 = arith.constant dense<0.000000e+00> : vector<256xf32>
      %reduce_sum3A_1389 = vector.multi_reduction <add>, %mul3A_1387, %reduce_sum3A_1388 [1] : vector<256x256xf32> to vector<256xf32>
      %broadcast_in_dim3A_1390 = vector.shape_cast %reduce_sum3A_1389 : vector<256xf32> to vector<256x1xf32>
      %mul3A_1391 = vector.broadcast %broadcast_in_dim3A_1390 : vector<256x1xf32> to vector<256x256xf32>
      %mul3A_1392 = arith.mulf %mul3A_98, %mul3A_1391 : vector<256x256xf32>
      %reduce_max3A_1393 = arith.constant dense<0xFF800000> : vector<256xf32>
      %reduce_max3A_1394 = vector.multi_reduction <maximumf>, %mul3A_1392, %reduce_max3A_1393 [0] : vector<256x256xf32> to vector<256xf32>
      %broadcast_in_dim3A_1395 = vector.shape_cast %reduce_max3A_1394 : vector<256xf32> to vector<1x256xf32>
      %sub3A_1396 = arith.constant 1.000000e+00 : f32
      %sub3A_1397 = vector.broadcast %sub3A_1396 : f32 to vector<1x256xf32>
      %sub3A_1398 = arith.subf %sub3A_1397, %broadcast_in_dim3A_1395 : vector<1x256xf32>
      %mul3A_1399 = arith.mulf %get3A_101, %sub3A_1398 : vector<1x256xf32>
      scf.yield %mul3A_1385, %mul3A_1399 : vector<1x256xf32>, vector<1x256xf32>
    }
    %swap3A_128 = arith.constant 0 : index
    %swap3A_129 = arith.constant 0 : index
    %swap3A_130 = vector.load %arg5[%swap3A_128, %swap3A_129] : memref<1x2048xf32, #tpu.memory_space<vmem>>, vector<1x256xf32>
    tpu.vector_store %arg5[%swap3A_128, %swap3A_129], %while3A#0 {strides = array<i32>} : memref<1x2048xf32, #tpu.memory_space<vmem>>, vector<1x256xf32>,
    %mul3A_131 = vector.broadcast %while3A#0 : vector<1x256xf32> to vector<256x256xf32>
    %mul3A_132 = arith.mulf %mul3A_131, %select_n3A_37 : vector<256x256xf32>
    %reduce_sum3A_133 = arith.constant dense<0.000000e+00> : vector<256xf32>
    %reduce_sum3A_134 = vector.multi_reduction <add>, %mul3A_132, %reduce_sum3A_133 [1] : vector<256x256xf32> to vector<256xf32>
    %broadcast_in_dim3A_135 = vector.shape_cast %reduce_sum3A_134 : vector<256xf32> to vector<256x1xf32>
    %swap3A_136 = arith.constant 0 : index
    %swap3A_137 = arith.constant 0 : index
    %swap3A_138 = vector.load %arg6[%swap3A_136, %swap3A_137] : memref<2048x1xf32, #tpu.memory_space<vmem>>, vector<256x1xf32>
    tpu.vector_store %arg6[%swap3A_136, %swap3A_137], %broadcast_in_dim3A_135 {strides = array<i32>} : memref<2048x1xf32, #tpu.memory_space<vmem>>, vector<256x1xf32>,
    %mul3A_139 = vector.broadcast %while3A#0 : vector<1x256xf32> to vector<256x256xf32>
    %mul3A_140 = arith.mulf %select_n3A_43, %mul3A_139 : vector<256x256xf32>
    %reduce_sum3A_141 = arith.constant dense<0.000000e+00> : vector<256xf32>
    %reduce_sum3A_142 = vector.multi_reduction <add>, %mul3A_140, %reduce_sum3A_141 [1] : vector<256x256xf32> to vector<256xf32>
    %broadcast_in_dim3A_143 = vector.shape_cast %reduce_sum3A_142 : vector<256xf32> to vector<256x1xf32>
    %add3A_144 = vector.broadcast %broadcast_in_dim3A_45 : vector<1x1xf32> to vector<256x1xf32>
    %add3A_145 = arith.addf %broadcast_in_dim3A_143, %add3A_144 : vector<256x1xf32>
    %swap3A_146 = arith.constant 0 : index
    %swap3A_147 = arith.constant 0 : index
    %swap3A_148 = vector.load %arg7[%swap3A_146, %swap3A_147] : memref<2048x1xf32, #tpu.memory_space<vmem>>, vector<256x1xf32>
    tpu.vector_store %arg7[%swap3A_146, %swap3A_147], %add3A_145 {strides = array<i32>} : memref<2048x1xf32, #tpu.memory_space<vmem>>, vector<256x1xf32>,
    %reduce_sum3A_149 = vector.shape_cast %while3A#0 : vector<1x256xf32> to vector<1x1x256xf32>
    %reduce_sum3A_150 = arith.constant dense<0.000000e+00> : vector<1xf32>
    %reduce_sum3A_151 = vector.multi_reduction <add>, %reduce_sum3A_149, %reduce_sum3A_150 [1, 2] : vector<1x1x256xf32> to vector<1xf32>
    %reduce_sum3A_152 = vector.shape_cast %reduce_sum3A_151 : vector<1xf32> to vector<1x1x1xf32>
    %reduce_sum3A_153 = vector.extract %reduce_sum3A_152[0, 0, 0] : f32 from vector<1x1x1xf32>
    %broadcast_in_dim3A_154 = vector.broadcast %reduce_sum3A_153 : f32 to vector<1x1xf32>
    %add3A_155 = arith.addf %broadcast_in_dim3A_45, %broadcast_in_dim3A_154 : vector<1x1xf32>
    %get3A_156 = arith.constant 0 : index
    %get3A_157 = arith.constant 0 : index
    %get3A_158 = vector.load %arg8[%get3A_156, %get3A_157] : memref<256x2048xf32, #tpu.memory_space<vmem>>, vector<256x2048xf32>
    %mul3A_159 = vector.broadcast %broadcast_in_dim3A_135 : vector<256x1xf32> to vector<256x2048xf32>
    %mul3A_160 = arith.mulf %get3A_158, %mul3A_159 : vector<256x2048xf32>
    %reduce_max3A_161 = arith.constant dense<0xFF800000> : vector<2048xf32>
    %reduce_max3A_162 = vector.multi_reduction <maximumf>, %mul3A_160, %reduce_max3A_161 [0] : vector<256x2048xf32> to vector<2048xf32>
    %broadcast_in_dim3A_163 = vector.shape_cast %reduce_max3A_162 : vector<2048xf32> to vector<1x2048xf32>
    %ge3A = arith.constant 256 : i32
    %ge3A_164 = vector.broadcast %ge3A : i32 to vector<1x2048xi32>
    %ge3A_165 = arith.cmpi sge, %iota3A, %ge3A_164 : vector<1x2048xi32>
    %jit3A_166 = arith.constant 1.000000e+00 : f32
    %jit3A_167 = arith.constant 0.000000e+00 : f32
    %broadcast_in_dim3A_168 = vector.broadcast %jit3A_166 : f32 to vector<1x2048xf32>
    %broadcast_in_dim3A_169 = vector.broadcast %jit3A_167 : f32 to vector<1x2048xf32>
    %select_n3A_170 = arith.select %ge3A_165, %broadcast_in_dim3A_168, %broadcast_in_dim3A_169 : vector<1x2048xi1>, vector<1x2048xf32>
    %get3A_171 = arith.constant 0 : index
    %get3A_172 = arith.constant 0 : index
    %get3A_173 = vector.load %arg5[%get3A_171, %get3A_172] : memref<1x2048xf32, #tpu.memory_space<vmem>>, vector<1x2048xf32>
    %mul3A_174 = arith.mulf %broadcast_in_dim3A_163, %select_n3A_170 : vector<1x2048xf32>
    %sub3A_175 = arith.constant 1.000000e+00 : f32
    %sub3A_176 = vector.broadcast %sub3A_175 : f32 to vector<1x2048xf32>
    %sub3A_177 = arith.subf %sub3A_176, %mul3A_174 : vector<1x2048xf32>
    %mul3A_178 = arith.mulf %get3A_173, %sub3A_177 : vector<1x2048xf32>
    %swap3A_179 = arith.constant 0 : index
    %swap3A_180 = arith.constant 0 : index
    %swap3A_181 = vector.load %arg5[%swap3A_179, %swap3A_180] : memref<1x2048xf32, #tpu.memory_space<vmem>>, vector<1x2048xf32>
    tpu.vector_store %arg5[%swap3A_179, %swap3A_180], %mul3A_178 {strides = array<i32>} : memref<1x2048xf32, #tpu.memory_space<vmem>>, vector<1x2048xf32>,
    %get3A_182 = arith.constant 256 : index
    %get3A_183 = arith.constant 0 : index
    %get3A_184 = vector.load %arg0[%get3A_182, %get3A_183] : memref<2048x8xf32, #tpu.memory_space<vmem>>, vector<256x1xf32>
    %get3A_185 = arith.constant 256 : index
    %get3A_186 = arith.constant 1 : index
    %get3A_187 = vector.load %arg0[%get3A_185, %get3A_186] : memref<2048x8xf32, #tpu.memory_space<vmem>>, vector<256x1xf32>
    %get3A_188 = arith.constant 256 : index
    %get3A_189 = arith.constant 2 : index
    %get3A_190 = vector.load %arg0[%get3A_188, %get3A_189] : memref<2048x8xf32, #tpu.memory_space<vmem>>, vector<256x1xf32>
    %get3A_191 = arith.constant 256 : index
    %get3A_192 = arith.constant 3 : index
    %get3A_193 = vector.load %arg0[%get3A_191, %get3A_192] : memref<2048x8xf32, #tpu.memory_space<vmem>>, vector<256x1xf32>
    %get3A_194 = arith.constant 256 : index
    %get3A_195 = arith.constant 5 : index
    %get3A_196 = vector.load %arg0[%get3A_194, %get3A_195] : memref<2048x8xf32, #tpu.memory_space<vmem>>, vector<256x1xf32>
    %min3A_197 = vector.broadcast %get3A_190 : vector<256x1xf32> to vector<256x2048xf32>
    %min3A_198 = vector.broadcast %get3A_7 : vector<1x2048xf32> to vector<256x2048xf32>
    %min3A_199 = arith.minimumf %min3A_197, %min3A_198 : vector<256x2048xf32>
    %max3A_200 = vector.broadcast %get3A_184 : vector<256x1xf32> to vector<256x2048xf32>
    %max3A_201 = vector.broadcast %get3A_1 : vector<1x2048xf32> to vector<256x2048xf32>
    %max3A_202 = arith.maximumf %max3A_200, %max3A_201 : vector<256x2048xf32>
    %sub3A_203 = arith.subf %min3A_199, %max3A_202 : vector<256x2048xf32>
    %max3A_204 = arith.constant 0.000000e+00 : f32
    %max3A_205 = vector.broadcast %max3A_204 : f32 to vector<256x2048xf32>
    %max3A_206 = arith.maximumf %sub3A_203, %max3A_205 : vector<256x2048xf32>
    %min3A_207 = vector.broadcast %get3A_193 : vector<256x1xf32> to vector<256x2048xf32>
    %min3A_208 = vector.broadcast %get3A_10 : vector<1x2048xf32> to vector<256x2048xf32>
    %min3A_209 = arith.minimumf %min3A_207, %min3A_208 : vector<256x2048xf32>
    %max3A_210 = vector.broadcast %get3A_187 : vector<256x1xf32> to vector<256x2048xf32>
    %max3A_211 = vector.broadcast %get3A_4 : vector<1x2048xf32> to vector<256x2048xf32>
    %max3A_212 = arith.maximumf %max3A_210, %max3A_211 : vector<256x2048xf32>
    %sub3A_213 = arith.subf %min3A_209, %max3A_212 : vector<256x2048xf32>
    %max3A_214 = arith.constant 0.000000e+00 : f32
    %max3A_215 = vector.broadcast %max3A_214 : f32 to vector<256x2048xf32>
    %max3A_216 = arith.maximumf %sub3A_213, %max3A_215 : vector<256x2048xf32>
    %mul3A_217 = arith.mulf %max3A_206, %max3A_216 : vector<256x2048xf32>
    %add3A_218 = vector.broadcast %get3A_196 : vector<256x1xf32> to vector<256x2048xf32>
    %add3A_219 = vector.broadcast %get3A_16 : vector<1x2048xf32> to vector<256x2048xf32>
    %add3A_220 = arith.addf %add3A_218, %add3A_219 : vector<256x2048xf32>
    %sub3A_221 = arith.subf %add3A_220, %mul3A_217 : vector<256x2048xf32>
    %max3A_222 = arith.constant 9.99999971E-10 : f32
    %max3A_223 = vector.broadcast %max3A_222 : f32 to vector<256x2048xf32>
    %max3A_224 = arith.maximumf %sub3A_221, %max3A_223 : vector<256x2048xf32>
    %div3A_225 = arith.divf %mul3A_217, %max3A_224 : vector<256x2048xf32>
    %gt3A_226 = arith.constant 4.500000e-01 : f32
    %gt3A_227 = vector.broadcast %gt3A_226 : f32 to vector<256x2048xf32>
    %gt3A_228 = arith.cmpf ogt, %div3A_225, %gt3A_227 : vector<256x2048xf32>
    %jit3A_229 = arith.constant 1.000000e+00 : f32
    %jit3A_230 = arith.constant 0.000000e+00 : f32
    %broadcast_in_dim3A_231 = vector.broadcast %jit3A_229 : f32 to vector<256x2048xf32>
    %broadcast_in_dim3A_232 = vector.broadcast %jit3A_230 : f32 to vector<256x2048xf32>
    %select_n3A_233 = arith.select %gt3A_228, %broadcast_in_dim3A_231, %broadcast_in_dim3A_232 : vector<256x2048xi1>, vector<256x2048xf32>
    %swap3A_234 = arith.constant 0 : index
    %swap3A_235 = arith.constant 0 : index
    %swap3A_236 = vector.load %arg8[%swap3A_234, %swap3A_235] : memref<256x2048xf32, #tpu.memory_space<vmem>>, vector<256x2048xf32>
    tpu.vector_store %arg8[%swap3A_234, %swap3A_235], %select_n3A_233 {strides = array<i32>} : memref<256x2048xf32, #tpu.memory_space<vmem>>, vector<256x2048xf32>,
    %get3A_237 = arith.constant 0 : index
    %get3A_238 = arith.constant 256 : index
    %get3A_239 = vector.load %arg8[%get3A_237, %get3A_238] : memref<256x2048xf32, #tpu.memory_space<vmem>>, vector<256x256xf32>
    %mul3A_240 = arith.mulf %get3A_239, %select_n3A_32 : vector<256x256xf32>
    %get3A_241 = arith.constant 0 : index
    %get3A_242 = arith.constant 256 : index
    %get3A_243 = vector.load %arg5[%get3A_241, %get3A_242] : memref<1x2048xf32, #tpu.memory_space<vmem>>, vector<1x256xf32>
    %mul3A_244 = vector.broadcast %get3A_243 : vector<1x256xf32> to vector<256x256xf32>
    %mul3A_245 = arith.mulf %mul3A_244, %select_n3A_37 : vector<256x256xf32>
    %reduce_sum3A_246 = arith.constant dense<0.000000e+00> : vector<256xf32>
    %reduce_sum3A_247 = vector.multi_reduction <add>, %mul3A_245, %reduce_sum3A_246 [1] : vector<256x256xf32> to vector<256xf32>
    %broadcast_in_dim3A_248 = vector.shape_cast %reduce_sum3A_247 : vector<256xf32> to vector<256x1xf32>
    %mul3A_249 = vector.broadcast %broadcast_in_dim3A_248 : vector<256x1xf32> to vector<256x256xf32>
    %mul3A_250 = arith.mulf %mul3A_240, %mul3A_249 : vector<256x256xf32>
    %reduce_max3A_251 = arith.constant dense<0xFF800000> : vector<256xf32>
    %reduce_max3A_252 = vector.multi_reduction <maximumf>, %mul3A_250, %reduce_max3A_251 [0] : vector<256x256xf32> to vector<256xf32>
    %broadcast_in_dim3A_253 = vector.shape_cast %reduce_max3A_252 : vector<256xf32> to vector<1x256xf32>
    %sub3A_254 = arith.constant 1.000000e+00 : f32
    %sub3A_255 = vector.broadcast %sub3A_254 : f32 to vector<1x256xf32>
    %sub3A_256 = arith.subf %sub3A_255, %broadcast_in_dim3A_253 : vector<1x256xf32>
    %mul3A_257 = arith.mulf %get3A_243, %sub3A_256 : vector<1x256xf32>
    %mul3A_258 = vector.broadcast %mul3A_257 : vector<1x256xf32> to vector<256x256xf32>
    %mul3A_259 = arith.mulf %mul3A_258, %select_n3A_37 : vector<256x256xf32>
    %reduce_sum3A_260 = arith.constant dense<0.000000e+00> : vector<256xf32>
    %reduce_sum3A_261 = vector.multi_reduction <add>, %mul3A_259, %reduce_sum3A_260 [1] : vector<256x256xf32> to vector<256xf32>
    %broadcast_in_dim3A_262 = vector.shape_cast %reduce_sum3A_261 : vector<256xf32> to vector<256x1xf32>
    %mul3A_263 = vector.broadcast %broadcast_in_dim3A_262 : vector<256x1xf32> to vector<256x256xf32>
    %mul3A_264 = arith.mulf %mul3A_240, %mul3A_263 : vector<256x256xf32>
    %reduce_max3A_265 = arith.constant dense<0xFF800000> : vector<256xf32>
    %reduce_max3A_266 = vector.multi_reduction <maximumf>, %mul3A_264, %reduce_max3A_265 [0] : vector<256x256xf32> to vector<256xf32>
    %broadcast_in_dim3A_267 = vector.shape_cast %reduce_max3A_266 : vector<256xf32> to vector<1x256xf32>
    %sub3A_268 = arith.constant 1.000000e+00 : f32
    %sub3A_269 = vector.broadcast %sub3A_268 : f32 to vector<1x256xf32>
    %sub3A_270 = arith.subf %sub3A_269, %broadcast_in_dim3A_267 : vector<1x256xf32>
    %mul3A_271 = arith.mulf %get3A_243, %sub3A_270 : vector<1x256xf32>
    %while3A_272:2 = scf.while (%while3A_1370 = %mul3A_257, %while3A_1371 = %mul3A_271) : (vector<1x256xf32>, vector<1x256xf32>) -> (vector<1x256xf32>, vector<1x256xf32>) {
      %sub3A_1372 = arith.subf %while3A_1371, %while3A_1370 : vector<1x256xf32>
      %reduce_sum3A_1373 = vector.shape_cast %sub3A_1372 : vector<1x256xf32> to vector<1x1x256xf32>
      %reduce_sum3A_1374 = arith.constant dense<0.000000e+00> : vector<1xf32>
      %reduce_sum3A_1375 = vector.multi_reduction <add>, %reduce_sum3A_1373, %reduce_sum3A_1374 [1, 2] : vector<1x1x256xf32> to vector<1xf32>
      %reduce_sum3A_1376 = vector.shape_cast %reduce_sum3A_1375 : vector<1xf32> to vector<1x1x1xf32>
      %reduce_sum3A_1377 = vector.extract %reduce_sum3A_1376[0, 0, 0] : f32 from vector<1x1x1xf32>
      %gt3A_1378 = arith.constant 0.000000e+00 : f32
      %gt3A_1379 = arith.cmpf ogt, %reduce_sum3A_1377, %gt3A_1378 : f32
      scf.condition(%gt3A_1379) %while3A_1370, %while3A_1371 : vector<1x256xf32>, vector<1x256xf32>
    } do {
    ^bb0(%while3A_1370: vector<1x256xf32>, %while3A_1371: vector<1x256xf32>):
      %mul3A_1372 = vector.broadcast %while3A_1371 : vector<1x256xf32> to vector<256x256xf32>
      %mul3A_1373 = arith.mulf %mul3A_1372, %select_n3A_37 : vector<256x256xf32>
      %reduce_sum3A_1374 = arith.constant dense<0.000000e+00> : vector<256xf32>
      %reduce_sum3A_1375 = vector.multi_reduction <add>, %mul3A_1373, %reduce_sum3A_1374 [1] : vector<256x256xf32> to vector<256xf32>
      %broadcast_in_dim3A_1376 = vector.shape_cast %reduce_sum3A_1375 : vector<256xf32> to vector<256x1xf32>
      %mul3A_1377 = vector.broadcast %broadcast_in_dim3A_1376 : vector<256x1xf32> to vector<256x256xf32>
      %mul3A_1378 = arith.mulf %mul3A_240, %mul3A_1377 : vector<256x256xf32>
      %reduce_max3A_1379 = arith.constant dense<0xFF800000> : vector<256xf32>
      %reduce_max3A_1380 = vector.multi_reduction <maximumf>, %mul3A_1378, %reduce_max3A_1379 [0] : vector<256x256xf32> to vector<256xf32>
      %broadcast_in_dim3A_1381 = vector.shape_cast %reduce_max3A_1380 : vector<256xf32> to vector<1x256xf32>
      %sub3A_1382 = arith.constant 1.000000e+00 : f32
      %sub3A_1383 = vector.broadcast %sub3A_1382 : f32 to vector<1x256xf32>
      %sub3A_1384 = arith.subf %sub3A_1383, %broadcast_in_dim3A_1381 : vector<1x256xf32>
      %mul3A_1385 = arith.mulf %get3A_243, %sub3A_1384 : vector<1x256xf32>
      %mul3A_1386 = vector.broadcast %mul3A_1385 : vector<1x256xf32> to vector<256x256xf32>
      %mul3A_1387 = arith.mulf %mul3A_1386, %select_n3A_37 : vector<256x256xf32>
      %reduce_sum3A_1388 = arith.constant dense<0.000000e+00> : vector<256xf32>
      %reduce_sum3A_1389 = vector.multi_reduction <add>, %mul3A_1387, %reduce_sum3A_1388 [1] : vector<256x256xf32> to vector<256xf32>
      %broadcast_in_dim3A_1390 = vector.shape_cast %reduce_sum3A_1389 : vector<256xf32> to vector<256x1xf32>
      %mul3A_1391 = vector.broadcast %broadcast_in_dim3A_1390 : vector<256x1xf32> to vector<256x256xf32>
      %mul3A_1392 = arith.mulf %mul3A_240, %mul3A_1391 : vector<256x256xf32>
      %reduce_max3A_1393 = arith.constant dense<0xFF800000> : vector<256xf32>
      %reduce_max3A_1394 = vector.multi_reduction <maximumf>, %mul3A_1392, %reduce_max3A_1393 [0] : vector<256x256xf32> to vector<256xf32>
      %broadcast_in_dim3A_1395 = vector.shape_cast %reduce_max3A_1394 : vector<256xf32> to vector<1x256xf32>
      %sub3A_1396 = arith.constant 1.000000e+00 : f32
      %sub3A_1397 = vector.broadcast %sub3A_1396 : f32 to vector<1x256xf32>
      %sub3A_1398 = arith.subf %sub3A_1397, %broadcast_in_dim3A_1395 : vector<1x256xf32>
      %mul3A_1399 = arith.mulf %get3A_243, %sub3A_1398 : vector<1x256xf32>
      scf.yield %mul3A_1385, %mul3A_1399 : vector<1x256xf32>, vector<1x256xf32>
    }
    %swap3A_273 = arith.constant 0 : index
    %swap3A_274 = arith.constant 256 : index
    %swap3A_275 = vector.load %arg5[%swap3A_273, %swap3A_274] : memref<1x2048xf32, #tpu.memory_space<vmem>>, vector<1x256xf32>
    tpu.vector_store %arg5[%swap3A_273, %swap3A_274], %while3A_272#0 {strides = array<i32>} : memref<1x2048xf32, #tpu.memory_space<vmem>>, vector<1x256xf32>,
    %mul3A_276 = vector.broadcast %while3A_272#0 : vector<1x256xf32> to vector<256x256xf32>
    %mul3A_277 = arith.mulf %mul3A_276, %select_n3A_37 : vector<256x256xf32>
    %reduce_sum3A_278 = arith.constant dense<0.000000e+00> : vector<256xf32>
    %reduce_sum3A_279 = vector.multi_reduction <add>, %mul3A_277, %reduce_sum3A_278 [1] : vector<256x256xf32> to vector<256xf32>
    %broadcast_in_dim3A_280 = vector.shape_cast %reduce_sum3A_279 : vector<256xf32> to vector<256x1xf32>
    %swap3A_281 = arith.constant 256 : index
    %swap3A_282 = arith.constant 0 : index
    %swap3A_283 = vector.load %arg6[%swap3A_281, %swap3A_282] : memref<2048x1xf32, #tpu.memory_space<vmem>>, vector<256x1xf32>
    tpu.vector_store %arg6[%swap3A_281, %swap3A_282], %broadcast_in_dim3A_280 {strides = array<i32>} : memref<2048x1xf32, #tpu.memory_space<vmem>>, vector<256x1xf32>,
    %mul3A_284 = vector.broadcast %while3A_272#0 : vector<1x256xf32> to vector<256x256xf32>
    %mul3A_285 = arith.mulf %select_n3A_43, %mul3A_284 : vector<256x256xf32>
    %reduce_sum3A_286 = arith.constant dense<0.000000e+00> : vector<256xf32>
    %reduce_sum3A_287 = vector.multi_reduction <add>, %mul3A_285, %reduce_sum3A_286 [1] : vector<256x256xf32> to vector<256xf32>
    %broadcast_in_dim3A_288 = vector.shape_cast %reduce_sum3A_287 : vector<256xf32> to vector<256x1xf32>
    %add3A_289 = vector.broadcast %add3A_155 : vector<1x1xf32> to vector<256x1xf32>
    %add3A_290 = arith.addf %broadcast_in_dim3A_288, %add3A_289 : vector<256x1xf32>
    %swap3A_291 = arith.constant 256 : index
    %swap3A_292 = arith.constant 0 : index
    %swap3A_293 = vector.load %arg7[%swap3A_291, %swap3A_292] : memref<2048x1xf32, #tpu.memory_space<vmem>>, vector<256x1xf32>
    tpu.vector_store %arg7[%swap3A_291, %swap3A_292], %add3A_290 {strides = array<i32>} : memref<2048x1xf32, #tpu.memory_space<vmem>>, vector<256x1xf32>,
    %reduce_sum3A_294 = vector.shape_cast %while3A_272#0 : vector<1x256xf32> to vector<1x1x256xf32>
    %reduce_sum3A_295 = arith.constant dense<0.000000e+00> : vector<1xf32>
    %reduce_sum3A_296 = vector.multi_reduction <add>, %reduce_sum3A_294, %reduce_sum3A_295 [1, 2] : vector<1x1x256xf32> to vector<1xf32>
    %reduce_sum3A_297 = vector.shape_cast %reduce_sum3A_296 : vector<1xf32> to vector<1x1x1xf32>
    %reduce_sum3A_298 = vector.extract %reduce_sum3A_297[0, 0, 0] : f32 from vector<1x1x1xf32>
    %broadcast_in_dim3A_299 = vector.broadcast %reduce_sum3A_298 : f32 to vector<1x1xf32>
    %add3A_300 = arith.addf %add3A_155, %broadcast_in_dim3A_299 : vector<1x1xf32>
    %get3A_301 = arith.constant 0 : index
    %get3A_302 = arith.constant 0 : index
    %get3A_303 = vector.load %arg8[%get3A_301, %get3A_302] : memref<256x2048xf32, #tpu.memory_space<vmem>>, vector<256x2048xf32>
    %mul3A_304 = vector.broadcast %broadcast_in_dim3A_280 : vector<256x1xf32> to vector<256x2048xf32>
    %mul3A_305 = arith.mulf %get3A_303, %mul3A_304 : vector<256x2048xf32>
    %reduce_max3A_306 = arith.constant dense<0xFF800000> : vector<2048xf32>
    %reduce_max3A_307 = vector.multi_reduction <maximumf>, %mul3A_305, %reduce_max3A_306 [0] : vector<256x2048xf32> to vector<2048xf32>
    %broadcast_in_dim3A_308 = vector.shape_cast %reduce_max3A_307 : vector<2048xf32> to vector<1x2048xf32>
    %ge3A_309 = arith.constant 512 : i32
    %ge3A_310 = vector.broadcast %ge3A_309 : i32 to vector<1x2048xi32>
    %ge3A_311 = arith.cmpi sge, %iota3A, %ge3A_310 : vector<1x2048xi32>
    %jit3A_312 = arith.constant 1.000000e+00 : f32
    %jit3A_313 = arith.constant 0.000000e+00 : f32
    %broadcast_in_dim3A_314 = vector.broadcast %jit3A_312 : f32 to vector<1x2048xf32>
    %broadcast_in_dim3A_315 = vector.broadcast %jit3A_313 : f32 to vector<1x2048xf32>
    %select_n3A_316 = arith.select %ge3A_311, %broadcast_in_dim3A_314, %broadcast_in_dim3A_315 : vector<1x2048xi1>, vector<1x2048xf32>
    %get3A_317 = arith.constant 0 : index
    %get3A_318 = arith.constant 0 : index
    %get3A_319 = vector.load %arg5[%get3A_317, %get3A_318] : memref<1x2048xf32, #tpu.memory_space<vmem>>, vector<1x2048xf32>
    %mul3A_320 = arith.mulf %broadcast_in_dim3A_308, %select_n3A_316 : vector<1x2048xf32>
    %sub3A_321 = arith.constant 1.000000e+00 : f32
    %sub3A_322 = vector.broadcast %sub3A_321 : f32 to vector<1x2048xf32>
    %sub3A_323 = arith.subf %sub3A_322, %mul3A_320 : vector<1x2048xf32>
    %mul3A_324 = arith.mulf %get3A_319, %sub3A_323 : vector<1x2048xf32>
    %swap3A_325 = arith.constant 0 : index
    %swap3A_326 = arith.constant 0 : index
    %swap3A_327 = vector.load %arg5[%swap3A_325, %swap3A_326] : memref<1x2048xf32, #tpu.memory_space<vmem>>, vector<1x2048xf32>
    tpu.vector_store %arg5[%swap3A_325, %swap3A_326], %mul3A_324 {strides = array<i32>} : memref<1x2048xf32, #tpu.memory_space<vmem>>, vector<1x2048xf32>,
    %get3A_328 = arith.constant 512 : index
    %get3A_329 = arith.constant 0 : index
    %get3A_330 = vector.load %arg0[%get3A_328, %get3A_329] : memref<2048x8xf32, #tpu.memory_space<vmem>>, vector<256x1xf32>
    %get3A_331 = arith.constant 512 : index
    %get3A_332 = arith.constant 1 : index
    %get3A_333 = vector.load %arg0[%get3A_331, %get3A_332] : memref<2048x8xf32, #tpu.memory_space<vmem>>, vector<256x1xf32>
    %get3A_334 = arith.constant 512 : index
    %get3A_335 = arith.constant 2 : index
    %get3A_336 = vector.load %arg0[%get3A_334, %get3A_335] : memref<2048x8xf32, #tpu.memory_space<vmem>>, vector<256x1xf32>
    %get3A_337 = arith.constant 512 : index
    %get3A_338 = arith.constant 3 : index
    %get3A_339 = vector.load %arg0[%get3A_337, %get3A_338] : memref<2048x8xf32, #tpu.memory_space<vmem>>, vector<256x1xf32>
    %get3A_340 = arith.constant 512 : index
    %get3A_341 = arith.constant 5 : index
    %get3A_342 = vector.load %arg0[%get3A_340, %get3A_341] : memref<2048x8xf32, #tpu.memory_space<vmem>>, vector<256x1xf32>
    %min3A_343 = vector.broadcast %get3A_336 : vector<256x1xf32> to vector<256x2048xf32>
    %min3A_344 = vector.broadcast %get3A_7 : vector<1x2048xf32> to vector<256x2048xf32>
    %min3A_345 = arith.minimumf %min3A_343, %min3A_344 : vector<256x2048xf32>
    %max3A_346 = vector.broadcast %get3A_330 : vector<256x1xf32> to vector<256x2048xf32>
    %max3A_347 = vector.broadcast %get3A_1 : vector<1x2048xf32> to vector<256x2048xf32>
    %max3A_348 = arith.maximumf %max3A_346, %max3A_347 : vector<256x2048xf32>
    %sub3A_349 = arith.subf %min3A_345, %max3A_348 : vector<256x2048xf32>
    %max3A_350 = arith.constant 0.000000e+00 : f32
    %max3A_351 = vector.broadcast %max3A_350 : f32 to vector<256x2048xf32>
    %max3A_352 = arith.maximumf %sub3A_349, %max3A_351 : vector<256x2048xf32>
    %min3A_353 = vector.broadcast %get3A_339 : vector<256x1xf32> to vector<256x2048xf32>
    %min3A_354 = vector.broadcast %get3A_10 : vector<1x2048xf32> to vector<256x2048xf32>
    %min3A_355 = arith.minimumf %min3A_353, %min3A_354 : vector<256x2048xf32>
    %max3A_356 = vector.broadcast %get3A_333 : vector<256x1xf32> to vector<256x2048xf32>
    %max3A_357 = vector.broadcast %get3A_4 : vector<1x2048xf32> to vector<256x2048xf32>
    %max3A_358 = arith.maximumf %max3A_356, %max3A_357 : vector<256x2048xf32>
    %sub3A_359 = arith.subf %min3A_355, %max3A_358 : vector<256x2048xf32>
    %max3A_360 = arith.constant 0.000000e+00 : f32
    %max3A_361 = vector.broadcast %max3A_360 : f32 to vector<256x2048xf32>
    %max3A_362 = arith.maximumf %sub3A_359, %max3A_361 : vector<256x2048xf32>
    %mul3A_363 = arith.mulf %max3A_352, %max3A_362 : vector<256x2048xf32>
    %add3A_364 = vector.broadcast %get3A_342 : vector<256x1xf32> to vector<256x2048xf32>
    %add3A_365 = vector.broadcast %get3A_16 : vector<1x2048xf32> to vector<256x2048xf32>
    %add3A_366 = arith.addf %add3A_364, %add3A_365 : vector<256x2048xf32>
    %sub3A_367 = arith.subf %add3A_366, %mul3A_363 : vector<256x2048xf32>
    %max3A_368 = arith.constant 9.99999971E-10 : f32
    %max3A_369 = vector.broadcast %max3A_368 : f32 to vector<256x2048xf32>
    %max3A_370 = arith.maximumf %sub3A_367, %max3A_369 : vector<256x2048xf32>
    %div3A_371 = arith.divf %mul3A_363, %max3A_370 : vector<256x2048xf32>
    %gt3A_372 = arith.constant 4.500000e-01 : f32
    %gt3A_373 = vector.broadcast %gt3A_372 : f32 to vector<256x2048xf32>
    %gt3A_374 = arith.cmpf ogt, %div3A_371, %gt3A_373 : vector<256x2048xf32>
    %jit3A_375 = arith.constant 1.000000e+00 : f32
    %jit3A_376 = arith.constant 0.000000e+00 : f32
    %broadcast_in_dim3A_377 = vector.broadcast %jit3A_375 : f32 to vector<256x2048xf32>
    %broadcast_in_dim3A_378 = vector.broadcast %jit3A_376 : f32 to vector<256x2048xf32>
    %select_n3A_379 = arith.select %gt3A_374, %broadcast_in_dim3A_377, %broadcast_in_dim3A_378 : vector<256x2048xi1>, vector<256x2048xf32>
    %swap3A_380 = arith.constant 0 : index
    %swap3A_381 = arith.constant 0 : index
    %swap3A_382 = vector.load %arg8[%swap3A_380, %swap3A_381] : memref<256x2048xf32, #tpu.memory_space<vmem>>, vector<256x2048xf32>
    tpu.vector_store %arg8[%swap3A_380, %swap3A_381], %select_n3A_379 {strides = array<i32>} : memref<256x2048xf32, #tpu.memory_space<vmem>>, vector<256x2048xf32>,
    %get3A_383 = arith.constant 0 : index
    %get3A_384 = arith.constant 512 : index
    %get3A_385 = vector.load %arg8[%get3A_383, %get3A_384] : memref<256x2048xf32, #tpu.memory_space<vmem>>, vector<256x256xf32>
    %mul3A_386 = arith.mulf %get3A_385, %select_n3A_32 : vector<256x256xf32>
    %get3A_387 = arith.constant 0 : index
    %get3A_388 = arith.constant 512 : index
    %get3A_389 = vector.load %arg5[%get3A_387, %get3A_388] : memref<1x2048xf32, #tpu.memory_space<vmem>>, vector<1x256xf32>
    %mul3A_390 = vector.broadcast %get3A_389 : vector<1x256xf32> to vector<256x256xf32>
    %mul3A_391 = arith.mulf %mul3A_390, %select_n3A_37 : vector<256x256xf32>
    %reduce_sum3A_392 = arith.constant dense<0.000000e+00> : vector<256xf32>
    %reduce_sum3A_393 = vector.multi_reduction <add>, %mul3A_391, %reduce_sum3A_392 [1] : vector<256x256xf32> to vector<256xf32>
    %broadcast_in_dim3A_394 = vector.shape_cast %reduce_sum3A_393 : vector<256xf32> to vector<256x1xf32>
    %mul3A_395 = vector.broadcast %broadcast_in_dim3A_394 : vector<256x1xf32> to vector<256x256xf32>
    %mul3A_396 = arith.mulf %mul3A_386, %mul3A_395 : vector<256x256xf32>
    %reduce_max3A_397 = arith.constant dense<0xFF800000> : vector<256xf32>
    %reduce_max3A_398 = vector.multi_reduction <maximumf>, %mul3A_396, %reduce_max3A_397 [0] : vector<256x256xf32> to vector<256xf32>
    %broadcast_in_dim3A_399 = vector.shape_cast %reduce_max3A_398 : vector<256xf32> to vector<1x256xf32>
    %sub3A_400 = arith.constant 1.000000e+00 : f32
    %sub3A_401 = vector.broadcast %sub3A_400 : f32 to vector<1x256xf32>
    %sub3A_402 = arith.subf %sub3A_401, %broadcast_in_dim3A_399 : vector<1x256xf32>
    %mul3A_403 = arith.mulf %get3A_389, %sub3A_402 : vector<1x256xf32>
    %mul3A_404 = vector.broadcast %mul3A_403 : vector<1x256xf32> to vector<256x256xf32>
    %mul3A_405 = arith.mulf %mul3A_404, %select_n3A_37 : vector<256x256xf32>
    %reduce_sum3A_406 = arith.constant dense<0.000000e+00> : vector<256xf32>
    %reduce_sum3A_407 = vector.multi_reduction <add>, %mul3A_405, %reduce_sum3A_406 [1] : vector<256x256xf32> to vector<256xf32>
    %broadcast_in_dim3A_408 = vector.shape_cast %reduce_sum3A_407 : vector<256xf32> to vector<256x1xf32>
    %mul3A_409 = vector.broadcast %broadcast_in_dim3A_408 : vector<256x1xf32> to vector<256x256xf32>
    %mul3A_410 = arith.mulf %mul3A_386, %mul3A_409 : vector<256x256xf32>
    %reduce_max3A_411 = arith.constant dense<0xFF800000> : vector<256xf32>
    %reduce_max3A_412 = vector.multi_reduction <maximumf>, %mul3A_410, %reduce_max3A_411 [0] : vector<256x256xf32> to vector<256xf32>
    %broadcast_in_dim3A_413 = vector.shape_cast %reduce_max3A_412 : vector<256xf32> to vector<1x256xf32>
    %sub3A_414 = arith.constant 1.000000e+00 : f32
    %sub3A_415 = vector.broadcast %sub3A_414 : f32 to vector<1x256xf32>
    %sub3A_416 = arith.subf %sub3A_415, %broadcast_in_dim3A_413 : vector<1x256xf32>
    %mul3A_417 = arith.mulf %get3A_389, %sub3A_416 : vector<1x256xf32>
    %while3A_418:2 = scf.while (%while3A_1370 = %mul3A_403, %while3A_1371 = %mul3A_417) : (vector<1x256xf32>, vector<1x256xf32>) -> (vector<1x256xf32>, vector<1x256xf32>) {
      %sub3A_1372 = arith.subf %while3A_1371, %while3A_1370 : vector<1x256xf32>
      %reduce_sum3A_1373 = vector.shape_cast %sub3A_1372 : vector<1x256xf32> to vector<1x1x256xf32>
      %reduce_sum3A_1374 = arith.constant dense<0.000000e+00> : vector<1xf32>
      %reduce_sum3A_1375 = vector.multi_reduction <add>, %reduce_sum3A_1373, %reduce_sum3A_1374 [1, 2] : vector<1x1x256xf32> to vector<1xf32>
      %reduce_sum3A_1376 = vector.shape_cast %reduce_sum3A_1375 : vector<1xf32> to vector<1x1x1xf32>
      %reduce_sum3A_1377 = vector.extract %reduce_sum3A_1376[0, 0, 0] : f32 from vector<1x1x1xf32>
      %gt3A_1378 = arith.constant 0.000000e+00 : f32
      %gt3A_1379 = arith.cmpf ogt, %reduce_sum3A_1377, %gt3A_1378 : f32
      scf.condition(%gt3A_1379) %while3A_1370, %while3A_1371 : vector<1x256xf32>, vector<1x256xf32>
    } do {
    ^bb0(%while3A_1370: vector<1x256xf32>, %while3A_1371: vector<1x256xf32>):
      %mul3A_1372 = vector.broadcast %while3A_1371 : vector<1x256xf32> to vector<256x256xf32>
      %mul3A_1373 = arith.mulf %mul3A_1372, %select_n3A_37 : vector<256x256xf32>
      %reduce_sum3A_1374 = arith.constant dense<0.000000e+00> : vector<256xf32>
      %reduce_sum3A_1375 = vector.multi_reduction <add>, %mul3A_1373, %reduce_sum3A_1374 [1] : vector<256x256xf32> to vector<256xf32>
      %broadcast_in_dim3A_1376 = vector.shape_cast %reduce_sum3A_1375 : vector<256xf32> to vector<256x1xf32>
      %mul3A_1377 = vector.broadcast %broadcast_in_dim3A_1376 : vector<256x1xf32> to vector<256x256xf32>
      %mul3A_1378 = arith.mulf %mul3A_386, %mul3A_1377 : vector<256x256xf32>
      %reduce_max3A_1379 = arith.constant dense<0xFF800000> : vector<256xf32>
      %reduce_max3A_1380 = vector.multi_reduction <maximumf>, %mul3A_1378, %reduce_max3A_1379 [0] : vector<256x256xf32> to vector<256xf32>
      %broadcast_in_dim3A_1381 = vector.shape_cast %reduce_max3A_1380 : vector<256xf32> to vector<1x256xf32>
      %sub3A_1382 = arith.constant 1.000000e+00 : f32
      %sub3A_1383 = vector.broadcast %sub3A_1382 : f32 to vector<1x256xf32>
      %sub3A_1384 = arith.subf %sub3A_1383, %broadcast_in_dim3A_1381 : vector<1x256xf32>
      %mul3A_1385 = arith.mulf %get3A_389, %sub3A_1384 : vector<1x256xf32>
      %mul3A_1386 = vector.broadcast %mul3A_1385 : vector<1x256xf32> to vector<256x256xf32>
      %mul3A_1387 = arith.mulf %mul3A_1386, %select_n3A_37 : vector<256x256xf32>
      %reduce_sum3A_1388 = arith.constant dense<0.000000e+00> : vector<256xf32>
      %reduce_sum3A_1389 = vector.multi_reduction <add>, %mul3A_1387, %reduce_sum3A_1388 [1] : vector<256x256xf32> to vector<256xf32>
      %broadcast_in_dim3A_1390 = vector.shape_cast %reduce_sum3A_1389 : vector<256xf32> to vector<256x1xf32>
      %mul3A_1391 = vector.broadcast %broadcast_in_dim3A_1390 : vector<256x1xf32> to vector<256x256xf32>
      %mul3A_1392 = arith.mulf %mul3A_386, %mul3A_1391 : vector<256x256xf32>
      %reduce_max3A_1393 = arith.constant dense<0xFF800000> : vector<256xf32>
      %reduce_max3A_1394 = vector.multi_reduction <maximumf>, %mul3A_1392, %reduce_max3A_1393 [0] : vector<256x256xf32> to vector<256xf32>
      %broadcast_in_dim3A_1395 = vector.shape_cast %reduce_max3A_1394 : vector<256xf32> to vector<1x256xf32>
      %sub3A_1396 = arith.constant 1.000000e+00 : f32
      %sub3A_1397 = vector.broadcast %sub3A_1396 : f32 to vector<1x256xf32>
      %sub3A_1398 = arith.subf %sub3A_1397, %broadcast_in_dim3A_1395 : vector<1x256xf32>
      %mul3A_1399 = arith.mulf %get3A_389, %sub3A_1398 : vector<1x256xf32>
      scf.yield %mul3A_1385, %mul3A_1399 : vector<1x256xf32>, vector<1x256xf32>
    }
    %swap3A_419 = arith.constant 0 : index
    %swap3A_420 = arith.constant 512 : index
    %swap3A_421 = vector.load %arg5[%swap3A_419, %swap3A_420] : memref<1x2048xf32, #tpu.memory_space<vmem>>, vector<1x256xf32>
    tpu.vector_store %arg5[%swap3A_419, %swap3A_420], %while3A_418#0 {strides = array<i32>} : memref<1x2048xf32, #tpu.memory_space<vmem>>, vector<1x256xf32>,
    %mul3A_422 = vector.broadcast %while3A_418#0 : vector<1x256xf32> to vector<256x256xf32>
    %mul3A_423 = arith.mulf %mul3A_422, %select_n3A_37 : vector<256x256xf32>
    %reduce_sum3A_424 = arith.constant dense<0.000000e+00> : vector<256xf32>
    %reduce_sum3A_425 = vector.multi_reduction <add>, %mul3A_423, %reduce_sum3A_424 [1] : vector<256x256xf32> to vector<256xf32>
    %broadcast_in_dim3A_426 = vector.shape_cast %reduce_sum3A_425 : vector<256xf32> to vector<256x1xf32>
    %swap3A_427 = arith.constant 512 : index
    %swap3A_428 = arith.constant 0 : index
    %swap3A_429 = vector.load %arg6[%swap3A_427, %swap3A_428] : memref<2048x1xf32, #tpu.memory_space<vmem>>, vector<256x1xf32>
    tpu.vector_store %arg6[%swap3A_427, %swap3A_428], %broadcast_in_dim3A_426 {strides = array<i32>} : memref<2048x1xf32, #tpu.memory_space<vmem>>, vector<256x1xf32>,
    %mul3A_430 = vector.broadcast %while3A_418#0 : vector<1x256xf32> to vector<256x256xf32>
    %mul3A_431 = arith.mulf %select_n3A_43, %mul3A_430 : vector<256x256xf32>
    %reduce_sum3A_432 = arith.constant dense<0.000000e+00> : vector<256xf32>
    %reduce_sum3A_433 = vector.multi_reduction <add>, %mul3A_431, %reduce_sum3A_432 [1] : vector<256x256xf32> to vector<256xf32>
    %broadcast_in_dim3A_434 = vector.shape_cast %reduce_sum3A_433 : vector<256xf32> to vector<256x1xf32>
    %add3A_435 = vector.broadcast %add3A_300 : vector<1x1xf32> to vector<256x1xf32>
    %add3A_436 = arith.addf %broadcast_in_dim3A_434, %add3A_435 : vector<256x1xf32>
    %swap3A_437 = arith.constant 512 : index
    %swap3A_438 = arith.constant 0 : index
    %swap3A_439 = vector.load %arg7[%swap3A_437, %swap3A_438] : memref<2048x1xf32, #tpu.memory_space<vmem>>, vector<256x1xf32>
    tpu.vector_store %arg7[%swap3A_437, %swap3A_438], %add3A_436 {strides = array<i32>} : memref<2048x1xf32, #tpu.memory_space<vmem>>, vector<256x1xf32>,
    %reduce_sum3A_440 = vector.shape_cast %while3A_418#0 : vector<1x256xf32> to vector<1x1x256xf32>
    %reduce_sum3A_441 = arith.constant dense<0.000000e+00> : vector<1xf32>
    %reduce_sum3A_442 = vector.multi_reduction <add>, %reduce_sum3A_440, %reduce_sum3A_441 [1, 2] : vector<1x1x256xf32> to vector<1xf32>
    %reduce_sum3A_443 = vector.shape_cast %reduce_sum3A_442 : vector<1xf32> to vector<1x1x1xf32>
    %reduce_sum3A_444 = vector.extract %reduce_sum3A_443[0, 0, 0] : f32 from vector<1x1x1xf32>
    %broadcast_in_dim3A_445 = vector.broadcast %reduce_sum3A_444 : f32 to vector<1x1xf32>
    %add3A_446 = arith.addf %add3A_300, %broadcast_in_dim3A_445 : vector<1x1xf32>
    %get3A_447 = arith.constant 0 : index
    %get3A_448 = arith.constant 0 : index
    %get3A_449 = vector.load %arg8[%get3A_447, %get3A_448] : memref<256x2048xf32, #tpu.memory_space<vmem>>, vector<256x2048xf32>
    %mul3A_450 = vector.broadcast %broadcast_in_dim3A_426 : vector<256x1xf32> to vector<256x2048xf32>
    %mul3A_451 = arith.mulf %get3A_449, %mul3A_450 : vector<256x2048xf32>
    %reduce_max3A_452 = arith.constant dense<0xFF800000> : vector<2048xf32>
    %reduce_max3A_453 = vector.multi_reduction <maximumf>, %mul3A_451, %reduce_max3A_452 [0] : vector<256x2048xf32> to vector<2048xf32>
    %broadcast_in_dim3A_454 = vector.shape_cast %reduce_max3A_453 : vector<2048xf32> to vector<1x2048xf32>
    %ge3A_455 = arith.constant 768 : i32
    %ge3A_456 = vector.broadcast %ge3A_455 : i32 to vector<1x2048xi32>
    %ge3A_457 = arith.cmpi sge, %iota3A, %ge3A_456 : vector<1x2048xi32>
    %jit3A_458 = arith.constant 1.000000e+00 : f32
    %jit3A_459 = arith.constant 0.000000e+00 : f32
    %broadcast_in_dim3A_460 = vector.broadcast %jit3A_458 : f32 to vector<1x2048xf32>
    %broadcast_in_dim3A_461 = vector.broadcast %jit3A_459 : f32 to vector<1x2048xf32>
    %select_n3A_462 = arith.select %ge3A_457, %broadcast_in_dim3A_460, %broadcast_in_dim3A_461 : vector<1x2048xi1>, vector<1x2048xf32>
    %get3A_463 = arith.constant 0 : index
    %get3A_464 = arith.constant 0 : index
    %get3A_465 = vector.load %arg5[%get3A_463, %get3A_464] : memref<1x2048xf32, #tpu.memory_space<vmem>>, vector<1x2048xf32>
    %mul3A_466 = arith.mulf %broadcast_in_dim3A_454, %select_n3A_462 : vector<1x2048xf32>
    %sub3A_467 = arith.constant 1.000000e+00 : f32
    %sub3A_468 = vector.broadcast %sub3A_467 : f32 to vector<1x2048xf32>
    %sub3A_469 = arith.subf %sub3A_468, %mul3A_466 : vector<1x2048xf32>
    %mul3A_470 = arith.mulf %get3A_465, %sub3A_469 : vector<1x2048xf32>
    %swap3A_471 = arith.constant 0 : index
    %swap3A_472 = arith.constant 0 : index
    %swap3A_473 = vector.load %arg5[%swap3A_471, %swap3A_472] : memref<1x2048xf32, #tpu.memory_space<vmem>>, vector<1x2048xf32>
    tpu.vector_store %arg5[%swap3A_471, %swap3A_472], %mul3A_470 {strides = array<i32>} : memref<1x2048xf32, #tpu.memory_space<vmem>>, vector<1x2048xf32>,
    %get3A_474 = arith.constant 768 : index
    %get3A_475 = arith.constant 0 : index
    %get3A_476 = vector.load %arg0[%get3A_474, %get3A_475] : memref<2048x8xf32, #tpu.memory_space<vmem>>, vector<256x1xf32>
    %get3A_477 = arith.constant 768 : index
    %get3A_478 = arith.constant 1 : index
    %get3A_479 = vector.load %arg0[%get3A_477, %get3A_478] : memref<2048x8xf32, #tpu.memory_space<vmem>>, vector<256x1xf32>
    %get3A_480 = arith.constant 768 : index
    %get3A_481 = arith.constant 2 : index
    %get3A_482 = vector.load %arg0[%get3A_480, %get3A_481] : memref<2048x8xf32, #tpu.memory_space<vmem>>, vector<256x1xf32>
    %get3A_483 = arith.constant 768 : index
    %get3A_484 = arith.constant 3 : index
    %get3A_485 = vector.load %arg0[%get3A_483, %get3A_484] : memref<2048x8xf32, #tpu.memory_space<vmem>>, vector<256x1xf32>
    %get3A_486 = arith.constant 768 : index
    %get3A_487 = arith.constant 5 : index
    %get3A_488 = vector.load %arg0[%get3A_486, %get3A_487] : memref<2048x8xf32, #tpu.memory_space<vmem>>, vector<256x1xf32>
    %min3A_489 = vector.broadcast %get3A_482 : vector<256x1xf32> to vector<256x2048xf32>
    %min3A_490 = vector.broadcast %get3A_7 : vector<1x2048xf32> to vector<256x2048xf32>
    %min3A_491 = arith.minimumf %min3A_489, %min3A_490 : vector<256x2048xf32>
    %max3A_492 = vector.broadcast %get3A_476 : vector<256x1xf32> to vector<256x2048xf32>
    %max3A_493 = vector.broadcast %get3A_1 : vector<1x2048xf32> to vector<256x2048xf32>
    %max3A_494 = arith.maximumf %max3A_492, %max3A_493 : vector<256x2048xf32>
    %sub3A_495 = arith.subf %min3A_491, %max3A_494 : vector<256x2048xf32>
    %max3A_496 = arith.constant 0.000000e+00 : f32
    %max3A_497 = vector.broadcast %max3A_496 : f32 to vector<256x2048xf32>
    %max3A_498 = arith.maximumf %sub3A_495, %max3A_497 : vector<256x2048xf32>
    %min3A_499 = vector.broadcast %get3A_485 : vector<256x1xf32> to vector<256x2048xf32>
    %min3A_500 = vector.broadcast %get3A_10 : vector<1x2048xf32> to vector<256x2048xf32>
    %min3A_501 = arith.minimumf %min3A_499, %min3A_500 : vector<256x2048xf32>
    %max3A_502 = vector.broadcast %get3A_479 : vector<256x1xf32> to vector<256x2048xf32>
    %max3A_503 = vector.broadcast %get3A_4 : vector<1x2048xf32> to vector<256x2048xf32>
    %max3A_504 = arith.maximumf %max3A_502, %max3A_503 : vector<256x2048xf32>
    %sub3A_505 = arith.subf %min3A_501, %max3A_504 : vector<256x2048xf32>
    %max3A_506 = arith.constant 0.000000e+00 : f32
    %max3A_507 = vector.broadcast %max3A_506 : f32 to vector<256x2048xf32>
    %max3A_508 = arith.maximumf %sub3A_505, %max3A_507 : vector<256x2048xf32>
    %mul3A_509 = arith.mulf %max3A_498, %max3A_508 : vector<256x2048xf32>
    %add3A_510 = vector.broadcast %get3A_488 : vector<256x1xf32> to vector<256x2048xf32>
    %add3A_511 = vector.broadcast %get3A_16 : vector<1x2048xf32> to vector<256x2048xf32>
    %add3A_512 = arith.addf %add3A_510, %add3A_511 : vector<256x2048xf32>
    %sub3A_513 = arith.subf %add3A_512, %mul3A_509 : vector<256x2048xf32>
    %max3A_514 = arith.constant 9.99999971E-10 : f32
    %max3A_515 = vector.broadcast %max3A_514 : f32 to vector<256x2048xf32>
    %max3A_516 = arith.maximumf %sub3A_513, %max3A_515 : vector<256x2048xf32>
    %div3A_517 = arith.divf %mul3A_509, %max3A_516 : vector<256x2048xf32>
    %gt3A_518 = arith.constant 4.500000e-01 : f32
    %gt3A_519 = vector.broadcast %gt3A_518 : f32 to vector<256x2048xf32>
    %gt3A_520 = arith.cmpf ogt, %div3A_517, %gt3A_519 : vector<256x2048xf32>
    %jit3A_521 = arith.constant 1.000000e+00 : f32
    %jit3A_522 = arith.constant 0.000000e+00 : f32
    %broadcast_in_dim3A_523 = vector.broadcast %jit3A_521 : f32 to vector<256x2048xf32>
    %broadcast_in_dim3A_524 = vector.broadcast %jit3A_522 : f32 to vector<256x2048xf32>
    %select_n3A_525 = arith.select %gt3A_520, %broadcast_in_dim3A_523, %broadcast_in_dim3A_524 : vector<256x2048xi1>, vector<256x2048xf32>
    %swap3A_526 = arith.constant 0 : index
    %swap3A_527 = arith.constant 0 : index
    %swap3A_528 = vector.load %arg8[%swap3A_526, %swap3A_527] : memref<256x2048xf32, #tpu.memory_space<vmem>>, vector<256x2048xf32>
    tpu.vector_store %arg8[%swap3A_526, %swap3A_527], %select_n3A_525 {strides = array<i32>} : memref<256x2048xf32, #tpu.memory_space<vmem>>, vector<256x2048xf32>,
    %get3A_529 = arith.constant 0 : index
    %get3A_530 = arith.constant 768 : index
    %get3A_531 = vector.load %arg8[%get3A_529, %get3A_530] : memref<256x2048xf32, #tpu.memory_space<vmem>>, vector<256x256xf32>
    %mul3A_532 = arith.mulf %get3A_531, %select_n3A_32 : vector<256x256xf32>
    %get3A_533 = arith.constant 0 : index
    %get3A_534 = arith.constant 768 : index
    %get3A_535 = vector.load %arg5[%get3A_533, %get3A_534] : memref<1x2048xf32, #tpu.memory_space<vmem>>, vector<1x256xf32>
    %mul3A_536 = vector.broadcast %get3A_535 : vector<1x256xf32> to vector<256x256xf32>
    %mul3A_537 = arith.mulf %mul3A_536, %select_n3A_37 : vector<256x256xf32>
    %reduce_sum3A_538 = arith.constant dense<0.000000e+00> : vector<256xf32>
    %reduce_sum3A_539 = vector.multi_reduction <add>, %mul3A_537, %reduce_sum3A_538 [1] : vector<256x256xf32> to vector<256xf32>
    %broadcast_in_dim3A_540 = vector.shape_cast %reduce_sum3A_539 : vector<256xf32> to vector<256x1xf32>
    %mul3A_541 = vector.broadcast %broadcast_in_dim3A_540 : vector<256x1xf32> to vector<256x256xf32>
    %mul3A_542 = arith.mulf %mul3A_532, %mul3A_541 : vector<256x256xf32>
    %reduce_max3A_543 = arith.constant dense<0xFF800000> : vector<256xf32>
    %reduce_max3A_544 = vector.multi_reduction <maximumf>, %mul3A_542, %reduce_max3A_543 [0] : vector<256x256xf32> to vector<256xf32>
    %broadcast_in_dim3A_545 = vector.shape_cast %reduce_max3A_544 : vector<256xf32> to vector<1x256xf32>
    %sub3A_546 = arith.constant 1.000000e+00 : f32
    %sub3A_547 = vector.broadcast %sub3A_546 : f32 to vector<1x256xf32>
    %sub3A_548 = arith.subf %sub3A_547, %broadcast_in_dim3A_545 : vector<1x256xf32>
    %mul3A_549 = arith.mulf %get3A_535, %sub3A_548 : vector<1x256xf32>
    %mul3A_550 = vector.broadcast %mul3A_549 : vector<1x256xf32> to vector<256x256xf32>
    %mul3A_551 = arith.mulf %mul3A_550, %select_n3A_37 : vector<256x256xf32>
    %reduce_sum3A_552 = arith.constant dense<0.000000e+00> : vector<256xf32>
    %reduce_sum3A_553 = vector.multi_reduction <add>, %mul3A_551, %reduce_sum3A_552 [1] : vector<256x256xf32> to vector<256xf32>
    %broadcast_in_dim3A_554 = vector.shape_cast %reduce_sum3A_553 : vector<256xf32> to vector<256x1xf32>
    %mul3A_555 = vector.broadcast %broadcast_in_dim3A_554 : vector<256x1xf32> to vector<256x256xf32>
    %mul3A_556 = arith.mulf %mul3A_532, %mul3A_555 : vector<256x256xf32>
    %reduce_max3A_557 = arith.constant dense<0xFF800000> : vector<256xf32>
    %reduce_max3A_558 = vector.multi_reduction <maximumf>, %mul3A_556, %reduce_max3A_557 [0] : vector<256x256xf32> to vector<256xf32>
    %broadcast_in_dim3A_559 = vector.shape_cast %reduce_max3A_558 : vector<256xf32> to vector<1x256xf32>
    %sub3A_560 = arith.constant 1.000000e+00 : f32
    %sub3A_561 = vector.broadcast %sub3A_560 : f32 to vector<1x256xf32>
    %sub3A_562 = arith.subf %sub3A_561, %broadcast_in_dim3A_559 : vector<1x256xf32>
    %mul3A_563 = arith.mulf %get3A_535, %sub3A_562 : vector<1x256xf32>
    %while3A_564:2 = scf.while (%while3A_1370 = %mul3A_549, %while3A_1371 = %mul3A_563) : (vector<1x256xf32>, vector<1x256xf32>) -> (vector<1x256xf32>, vector<1x256xf32>) {
      %sub3A_1372 = arith.subf %while3A_1371, %while3A_1370 : vector<1x256xf32>
      %reduce_sum3A_1373 = vector.shape_cast %sub3A_1372 : vector<1x256xf32> to vector<1x1x256xf32>
      %reduce_sum3A_1374 = arith.constant dense<0.000000e+00> : vector<1xf32>
      %reduce_sum3A_1375 = vector.multi_reduction <add>, %reduce_sum3A_1373, %reduce_sum3A_1374 [1, 2] : vector<1x1x256xf32> to vector<1xf32>
      %reduce_sum3A_1376 = vector.shape_cast %reduce_sum3A_1375 : vector<1xf32> to vector<1x1x1xf32>
      %reduce_sum3A_1377 = vector.extract %reduce_sum3A_1376[0, 0, 0] : f32 from vector<1x1x1xf32>
      %gt3A_1378 = arith.constant 0.000000e+00 : f32
      %gt3A_1379 = arith.cmpf ogt, %reduce_sum3A_1377, %gt3A_1378 : f32
      scf.condition(%gt3A_1379) %while3A_1370, %while3A_1371 : vector<1x256xf32>, vector<1x256xf32>
    } do {
    ^bb0(%while3A_1370: vector<1x256xf32>, %while3A_1371: vector<1x256xf32>):
      %mul3A_1372 = vector.broadcast %while3A_1371 : vector<1x256xf32> to vector<256x256xf32>
      %mul3A_1373 = arith.mulf %mul3A_1372, %select_n3A_37 : vector<256x256xf32>
      %reduce_sum3A_1374 = arith.constant dense<0.000000e+00> : vector<256xf32>
      %reduce_sum3A_1375 = vector.multi_reduction <add>, %mul3A_1373, %reduce_sum3A_1374 [1] : vector<256x256xf32> to vector<256xf32>
      %broadcast_in_dim3A_1376 = vector.shape_cast %reduce_sum3A_1375 : vector<256xf32> to vector<256x1xf32>
      %mul3A_1377 = vector.broadcast %broadcast_in_dim3A_1376 : vector<256x1xf32> to vector<256x256xf32>
      %mul3A_1378 = arith.mulf %mul3A_532, %mul3A_1377 : vector<256x256xf32>
      %reduce_max3A_1379 = arith.constant dense<0xFF800000> : vector<256xf32>
      %reduce_max3A_1380 = vector.multi_reduction <maximumf>, %mul3A_1378, %reduce_max3A_1379 [0] : vector<256x256xf32> to vector<256xf32>
      %broadcast_in_dim3A_1381 = vector.shape_cast %reduce_max3A_1380 : vector<256xf32> to vector<1x256xf32>
      %sub3A_1382 = arith.constant 1.000000e+00 : f32
      %sub3A_1383 = vector.broadcast %sub3A_1382 : f32 to vector<1x256xf32>
      %sub3A_1384 = arith.subf %sub3A_1383, %broadcast_in_dim3A_1381 : vector<1x256xf32>
      %mul3A_1385 = arith.mulf %get3A_535, %sub3A_1384 : vector<1x256xf32>
      %mul3A_1386 = vector.broadcast %mul3A_1385 : vector<1x256xf32> to vector<256x256xf32>
      %mul3A_1387 = arith.mulf %mul3A_1386, %select_n3A_37 : vector<256x256xf32>
      %reduce_sum3A_1388 = arith.constant dense<0.000000e+00> : vector<256xf32>
      %reduce_sum3A_1389 = vector.multi_reduction <add>, %mul3A_1387, %reduce_sum3A_1388 [1] : vector<256x256xf32> to vector<256xf32>
      %broadcast_in_dim3A_1390 = vector.shape_cast %reduce_sum3A_1389 : vector<256xf32> to vector<256x1xf32>
      %mul3A_1391 = vector.broadcast %broadcast_in_dim3A_1390 : vector<256x1xf32> to vector<256x256xf32>
      %mul3A_1392 = arith.mulf %mul3A_532, %mul3A_1391 : vector<256x256xf32>
      %reduce_max3A_1393 = arith.constant dense<0xFF800000> : vector<256xf32>
      %reduce_max3A_1394 = vector.multi_reduction <maximumf>, %mul3A_1392, %reduce_max3A_1393 [0] : vector<256x256xf32> to vector<256xf32>
      %broadcast_in_dim3A_1395 = vector.shape_cast %reduce_max3A_1394 : vector<256xf32> to vector<1x256xf32>
      %sub3A_1396 = arith.constant 1.000000e+00 : f32
      %sub3A_1397 = vector.broadcast %sub3A_1396 : f32 to vector<1x256xf32>
      %sub3A_1398 = arith.subf %sub3A_1397, %broadcast_in_dim3A_1395 : vector<1x256xf32>
      %mul3A_1399 = arith.mulf %get3A_535, %sub3A_1398 : vector<1x256xf32>
      scf.yield %mul3A_1385, %mul3A_1399 : vector<1x256xf32>, vector<1x256xf32>
    }
    %swap3A_565 = arith.constant 0 : index
    %swap3A_566 = arith.constant 768 : index
    %swap3A_567 = vector.load %arg5[%swap3A_565, %swap3A_566] : memref<1x2048xf32, #tpu.memory_space<vmem>>, vector<1x256xf32>
    tpu.vector_store %arg5[%swap3A_565, %swap3A_566], %while3A_564#0 {strides = array<i32>} : memref<1x2048xf32, #tpu.memory_space<vmem>>, vector<1x256xf32>,
    %mul3A_568 = vector.broadcast %while3A_564#0 : vector<1x256xf32> to vector<256x256xf32>
    %mul3A_569 = arith.mulf %mul3A_568, %select_n3A_37 : vector<256x256xf32>
    %reduce_sum3A_570 = arith.constant dense<0.000000e+00> : vector<256xf32>
    %reduce_sum3A_571 = vector.multi_reduction <add>, %mul3A_569, %reduce_sum3A_570 [1] : vector<256x256xf32> to vector<256xf32>
    %broadcast_in_dim3A_572 = vector.shape_cast %reduce_sum3A_571 : vector<256xf32> to vector<256x1xf32>
    %swap3A_573 = arith.constant 768 : index
    %swap3A_574 = arith.constant 0 : index
    %swap3A_575 = vector.load %arg6[%swap3A_573, %swap3A_574] : memref<2048x1xf32, #tpu.memory_space<vmem>>, vector<256x1xf32>
    tpu.vector_store %arg6[%swap3A_573, %swap3A_574], %broadcast_in_dim3A_572 {strides = array<i32>} : memref<2048x1xf32, #tpu.memory_space<vmem>>, vector<256x1xf32>,
    %mul3A_576 = vector.broadcast %while3A_564#0 : vector<1x256xf32> to vector<256x256xf32>
    %mul3A_577 = arith.mulf %select_n3A_43, %mul3A_576 : vector<256x256xf32>
    %reduce_sum3A_578 = arith.constant dense<0.000000e+00> : vector<256xf32>
    %reduce_sum3A_579 = vector.multi_reduction <add>, %mul3A_577, %reduce_sum3A_578 [1] : vector<256x256xf32> to vector<256xf32>
    %broadcast_in_dim3A_580 = vector.shape_cast %reduce_sum3A_579 : vector<256xf32> to vector<256x1xf32>
    %add3A_581 = vector.broadcast %add3A_446 : vector<1x1xf32> to vector<256x1xf32>
    %add3A_582 = arith.addf %broadcast_in_dim3A_580, %add3A_581 : vector<256x1xf32>
    %swap3A_583 = arith.constant 768 : index
    %swap3A_584 = arith.constant 0 : index
    %swap3A_585 = vector.load %arg7[%swap3A_583, %swap3A_584] : memref<2048x1xf32, #tpu.memory_space<vmem>>, vector<256x1xf32>
    tpu.vector_store %arg7[%swap3A_583, %swap3A_584], %add3A_582 {strides = array<i32>} : memref<2048x1xf32, #tpu.memory_space<vmem>>, vector<256x1xf32>,
    %reduce_sum3A_586 = vector.shape_cast %while3A_564#0 : vector<1x256xf32> to vector<1x1x256xf32>
    %reduce_sum3A_587 = arith.constant dense<0.000000e+00> : vector<1xf32>
    %reduce_sum3A_588 = vector.multi_reduction <add>, %reduce_sum3A_586, %reduce_sum3A_587 [1, 2] : vector<1x1x256xf32> to vector<1xf32>
    %reduce_sum3A_589 = vector.shape_cast %reduce_sum3A_588 : vector<1xf32> to vector<1x1x1xf32>
    %reduce_sum3A_590 = vector.extract %reduce_sum3A_589[0, 0, 0] : f32 from vector<1x1x1xf32>
    %broadcast_in_dim3A_591 = vector.broadcast %reduce_sum3A_590 : f32 to vector<1x1xf32>
    %add3A_592 = arith.addf %add3A_446, %broadcast_in_dim3A_591 : vector<1x1xf32>
    %get3A_593 = arith.constant 0 : index
    %get3A_594 = arith.constant 0 : index
    %get3A_595 = vector.load %arg8[%get3A_593, %get3A_594] : memref<256x2048xf32, #tpu.memory_space<vmem>>, vector<256x2048xf32>
    %mul3A_596 = vector.broadcast %broadcast_in_dim3A_572 : vector<256x1xf32> to vector<256x2048xf32>
    %mul3A_597 = arith.mulf %get3A_595, %mul3A_596 : vector<256x2048xf32>
    %reduce_max3A_598 = arith.constant dense<0xFF800000> : vector<2048xf32>
    %reduce_max3A_599 = vector.multi_reduction <maximumf>, %mul3A_597, %reduce_max3A_598 [0] : vector<256x2048xf32> to vector<2048xf32>
    %broadcast_in_dim3A_600 = vector.shape_cast %reduce_max3A_599 : vector<2048xf32> to vector<1x2048xf32>
    %ge3A_601 = arith.constant 1024 : i32
    %ge3A_602 = vector.broadcast %ge3A_601 : i32 to vector<1x2048xi32>
    %ge3A_603 = arith.cmpi sge, %iota3A, %ge3A_602 : vector<1x2048xi32>
    %jit3A_604 = arith.constant 1.000000e+00 : f32
    %jit3A_605 = arith.constant 0.000000e+00 : f32
    %broadcast_in_dim3A_606 = vector.broadcast %jit3A_604 : f32 to vector<1x2048xf32>
    %broadcast_in_dim3A_607 = vector.broadcast %jit3A_605 : f32 to vector<1x2048xf32>
    %select_n3A_608 = arith.select %ge3A_603, %broadcast_in_dim3A_606, %broadcast_in_dim3A_607 : vector<1x2048xi1>, vector<1x2048xf32>
    %get3A_609 = arith.constant 0 : index
    %get3A_610 = arith.constant 0 : index
    %get3A_611 = vector.load %arg5[%get3A_609, %get3A_610] : memref<1x2048xf32, #tpu.memory_space<vmem>>, vector<1x2048xf32>
    %mul3A_612 = arith.mulf %broadcast_in_dim3A_600, %select_n3A_608 : vector<1x2048xf32>
    %sub3A_613 = arith.constant 1.000000e+00 : f32
    %sub3A_614 = vector.broadcast %sub3A_613 : f32 to vector<1x2048xf32>
    %sub3A_615 = arith.subf %sub3A_614, %mul3A_612 : vector<1x2048xf32>
    %mul3A_616 = arith.mulf %get3A_611, %sub3A_615 : vector<1x2048xf32>
    %swap3A_617 = arith.constant 0 : index
    %swap3A_618 = arith.constant 0 : index
    %swap3A_619 = vector.load %arg5[%swap3A_617, %swap3A_618] : memref<1x2048xf32, #tpu.memory_space<vmem>>, vector<1x2048xf32>
    tpu.vector_store %arg5[%swap3A_617, %swap3A_618], %mul3A_616 {strides = array<i32>} : memref<1x2048xf32, #tpu.memory_space<vmem>>, vector<1x2048xf32>,
    %get3A_620 = arith.constant 1024 : index
    %get3A_621 = arith.constant 0 : index
    %get3A_622 = vector.load %arg0[%get3A_620, %get3A_621] : memref<2048x8xf32, #tpu.memory_space<vmem>>, vector<256x1xf32>
    %get3A_623 = arith.constant 1024 : index
    %get3A_624 = arith.constant 1 : index
    %get3A_625 = vector.load %arg0[%get3A_623, %get3A_624] : memref<2048x8xf32, #tpu.memory_space<vmem>>, vector<256x1xf32>
    %get3A_626 = arith.constant 1024 : index
    %get3A_627 = arith.constant 2 : index
    %get3A_628 = vector.load %arg0[%get3A_626, %get3A_627] : memref<2048x8xf32, #tpu.memory_space<vmem>>, vector<256x1xf32>
    %get3A_629 = arith.constant 1024 : index
    %get3A_630 = arith.constant 3 : index
    %get3A_631 = vector.load %arg0[%get3A_629, %get3A_630] : memref<2048x8xf32, #tpu.memory_space<vmem>>, vector<256x1xf32>
    %get3A_632 = arith.constant 1024 : index
    %get3A_633 = arith.constant 5 : index
    %get3A_634 = vector.load %arg0[%get3A_632, %get3A_633] : memref<2048x8xf32, #tpu.memory_space<vmem>>, vector<256x1xf32>
    %min3A_635 = vector.broadcast %get3A_628 : vector<256x1xf32> to vector<256x2048xf32>
    %min3A_636 = vector.broadcast %get3A_7 : vector<1x2048xf32> to vector<256x2048xf32>
    %min3A_637 = arith.minimumf %min3A_635, %min3A_636 : vector<256x2048xf32>
    %max3A_638 = vector.broadcast %get3A_622 : vector<256x1xf32> to vector<256x2048xf32>
    %max3A_639 = vector.broadcast %get3A_1 : vector<1x2048xf32> to vector<256x2048xf32>
    %max3A_640 = arith.maximumf %max3A_638, %max3A_639 : vector<256x2048xf32>
    %sub3A_641 = arith.subf %min3A_637, %max3A_640 : vector<256x2048xf32>
    %max3A_642 = arith.constant 0.000000e+00 : f32
    %max3A_643 = vector.broadcast %max3A_642 : f32 to vector<256x2048xf32>
    %max3A_644 = arith.maximumf %sub3A_641, %max3A_643 : vector<256x2048xf32>
    %min3A_645 = vector.broadcast %get3A_631 : vector<256x1xf32> to vector<256x2048xf32>
    %min3A_646 = vector.broadcast %get3A_10 : vector<1x2048xf32> to vector<256x2048xf32>
    %min3A_647 = arith.minimumf %min3A_645, %min3A_646 : vector<256x2048xf32>
    %max3A_648 = vector.broadcast %get3A_625 : vector<256x1xf32> to vector<256x2048xf32>
    %max3A_649 = vector.broadcast %get3A_4 : vector<1x2048xf32> to vector<256x2048xf32>
    %max3A_650 = arith.maximumf %max3A_648, %max3A_649 : vector<256x2048xf32>
    %sub3A_651 = arith.subf %min3A_647, %max3A_650 : vector<256x2048xf32>
    %max3A_652 = arith.constant 0.000000e+00 : f32
    %max3A_653 = vector.broadcast %max3A_652 : f32 to vector<256x2048xf32>
    %max3A_654 = arith.maximumf %sub3A_651, %max3A_653 : vector<256x2048xf32>
    %mul3A_655 = arith.mulf %max3A_644, %max3A_654 : vector<256x2048xf32>
    %add3A_656 = vector.broadcast %get3A_634 : vector<256x1xf32> to vector<256x2048xf32>
    %add3A_657 = vector.broadcast %get3A_16 : vector<1x2048xf32> to vector<256x2048xf32>
    %add3A_658 = arith.addf %add3A_656, %add3A_657 : vector<256x2048xf32>
    %sub3A_659 = arith.subf %add3A_658, %mul3A_655 : vector<256x2048xf32>
    %max3A_660 = arith.constant 9.99999971E-10 : f32
    %max3A_661 = vector.broadcast %max3A_660 : f32 to vector<256x2048xf32>
    %max3A_662 = arith.maximumf %sub3A_659, %max3A_661 : vector<256x2048xf32>
    %div3A_663 = arith.divf %mul3A_655, %max3A_662 : vector<256x2048xf32>
    %gt3A_664 = arith.constant 4.500000e-01 : f32
    %gt3A_665 = vector.broadcast %gt3A_664 : f32 to vector<256x2048xf32>
    %gt3A_666 = arith.cmpf ogt, %div3A_663, %gt3A_665 : vector<256x2048xf32>
    %jit3A_667 = arith.constant 1.000000e+00 : f32
    %jit3A_668 = arith.constant 0.000000e+00 : f32
    %broadcast_in_dim3A_669 = vector.broadcast %jit3A_667 : f32 to vector<256x2048xf32>
    %broadcast_in_dim3A_670 = vector.broadcast %jit3A_668 : f32 to vector<256x2048xf32>
    %select_n3A_671 = arith.select %gt3A_666, %broadcast_in_dim3A_669, %broadcast_in_dim3A_670 : vector<256x2048xi1>, vector<256x2048xf32>
    %swap3A_672 = arith.constant 0 : index
    %swap3A_673 = arith.constant 0 : index
    %swap3A_674 = vector.load %arg8[%swap3A_672, %swap3A_673] : memref<256x2048xf32, #tpu.memory_space<vmem>>, vector<256x2048xf32>
    tpu.vector_store %arg8[%swap3A_672, %swap3A_673], %select_n3A_671 {strides = array<i32>} : memref<256x2048xf32, #tpu.memory_space<vmem>>, vector<256x2048xf32>,
    %get3A_675 = arith.constant 0 : index
    %get3A_676 = arith.constant 1024 : index
    %get3A_677 = vector.load %arg8[%get3A_675, %get3A_676] : memref<256x2048xf32, #tpu.memory_space<vmem>>, vector<256x256xf32>
    %mul3A_678 = arith.mulf %get3A_677, %select_n3A_32 : vector<256x256xf32>
    %get3A_679 = arith.constant 0 : index
    %get3A_680 = arith.constant 1024 : index
    %get3A_681 = vector.load %arg5[%get3A_679, %get3A_680] : memref<1x2048xf32, #tpu.memory_space<vmem>>, vector<1x256xf32>
    %mul3A_682 = vector.broadcast %get3A_681 : vector<1x256xf32> to vector<256x256xf32>
    %mul3A_683 = arith.mulf %mul3A_682, %select_n3A_37 : vector<256x256xf32>
    %reduce_sum3A_684 = arith.constant dense<0.000000e+00> : vector<256xf32>
    %reduce_sum3A_685 = vector.multi_reduction <add>, %mul3A_683, %reduce_sum3A_684 [1] : vector<256x256xf32> to vector<256xf32>
    %broadcast_in_dim3A_686 = vector.shape_cast %reduce_sum3A_685 : vector<256xf32> to vector<256x1xf32>
    %mul3A_687 = vector.broadcast %broadcast_in_dim3A_686 : vector<256x1xf32> to vector<256x256xf32>
    %mul3A_688 = arith.mulf %mul3A_678, %mul3A_687 : vector<256x256xf32>
    %reduce_max3A_689 = arith.constant dense<0xFF800000> : vector<256xf32>
    %reduce_max3A_690 = vector.multi_reduction <maximumf>, %mul3A_688, %reduce_max3A_689 [0] : vector<256x256xf32> to vector<256xf32>
    %broadcast_in_dim3A_691 = vector.shape_cast %reduce_max3A_690 : vector<256xf32> to vector<1x256xf32>
    %sub3A_692 = arith.constant 1.000000e+00 : f32
    %sub3A_693 = vector.broadcast %sub3A_692 : f32 to vector<1x256xf32>
    %sub3A_694 = arith.subf %sub3A_693, %broadcast_in_dim3A_691 : vector<1x256xf32>
    %mul3A_695 = arith.mulf %get3A_681, %sub3A_694 : vector<1x256xf32>
    %mul3A_696 = vector.broadcast %mul3A_695 : vector<1x256xf32> to vector<256x256xf32>
    %mul3A_697 = arith.mulf %mul3A_696, %select_n3A_37 : vector<256x256xf32>
    %reduce_sum3A_698 = arith.constant dense<0.000000e+00> : vector<256xf32>
    %reduce_sum3A_699 = vector.multi_reduction <add>, %mul3A_697, %reduce_sum3A_698 [1] : vector<256x256xf32> to vector<256xf32>
    %broadcast_in_dim3A_700 = vector.shape_cast %reduce_sum3A_699 : vector<256xf32> to vector<256x1xf32>
    %mul3A_701 = vector.broadcast %broadcast_in_dim3A_700 : vector<256x1xf32> to vector<256x256xf32>
    %mul3A_702 = arith.mulf %mul3A_678, %mul3A_701 : vector<256x256xf32>
    %reduce_max3A_703 = arith.constant dense<0xFF800000> : vector<256xf32>
    %reduce_max3A_704 = vector.multi_reduction <maximumf>, %mul3A_702, %reduce_max3A_703 [0] : vector<256x256xf32> to vector<256xf32>
    %broadcast_in_dim3A_705 = vector.shape_cast %reduce_max3A_704 : vector<256xf32> to vector<1x256xf32>
    %sub3A_706 = arith.constant 1.000000e+00 : f32
    %sub3A_707 = vector.broadcast %sub3A_706 : f32 to vector<1x256xf32>
    %sub3A_708 = arith.subf %sub3A_707, %broadcast_in_dim3A_705 : vector<1x256xf32>
    %mul3A_709 = arith.mulf %get3A_681, %sub3A_708 : vector<1x256xf32>
    %while3A_710:2 = scf.while (%while3A_1370 = %mul3A_695, %while3A_1371 = %mul3A_709) : (vector<1x256xf32>, vector<1x256xf32>) -> (vector<1x256xf32>, vector<1x256xf32>) {
      %sub3A_1372 = arith.subf %while3A_1371, %while3A_1370 : vector<1x256xf32>
      %reduce_sum3A_1373 = vector.shape_cast %sub3A_1372 : vector<1x256xf32> to vector<1x1x256xf32>
      %reduce_sum3A_1374 = arith.constant dense<0.000000e+00> : vector<1xf32>
      %reduce_sum3A_1375 = vector.multi_reduction <add>, %reduce_sum3A_1373, %reduce_sum3A_1374 [1, 2] : vector<1x1x256xf32> to vector<1xf32>
      %reduce_sum3A_1376 = vector.shape_cast %reduce_sum3A_1375 : vector<1xf32> to vector<1x1x1xf32>
      %reduce_sum3A_1377 = vector.extract %reduce_sum3A_1376[0, 0, 0] : f32 from vector<1x1x1xf32>
      %gt3A_1378 = arith.constant 0.000000e+00 : f32
      %gt3A_1379 = arith.cmpf ogt, %reduce_sum3A_1377, %gt3A_1378 : f32
      scf.condition(%gt3A_1379) %while3A_1370, %while3A_1371 : vector<1x256xf32>, vector<1x256xf32>
    } do {
    ^bb0(%while3A_1370: vector<1x256xf32>, %while3A_1371: vector<1x256xf32>):
      %mul3A_1372 = vector.broadcast %while3A_1371 : vector<1x256xf32> to vector<256x256xf32>
      %mul3A_1373 = arith.mulf %mul3A_1372, %select_n3A_37 : vector<256x256xf32>
      %reduce_sum3A_1374 = arith.constant dense<0.000000e+00> : vector<256xf32>
      %reduce_sum3A_1375 = vector.multi_reduction <add>, %mul3A_1373, %reduce_sum3A_1374 [1] : vector<256x256xf32> to vector<256xf32>
      %broadcast_in_dim3A_1376 = vector.shape_cast %reduce_sum3A_1375 : vector<256xf32> to vector<256x1xf32>
      %mul3A_1377 = vector.broadcast %broadcast_in_dim3A_1376 : vector<256x1xf32> to vector<256x256xf32>
      %mul3A_1378 = arith.mulf %mul3A_678, %mul3A_1377 : vector<256x256xf32>
      %reduce_max3A_1379 = arith.constant dense<0xFF800000> : vector<256xf32>
      %reduce_max3A_1380 = vector.multi_reduction <maximumf>, %mul3A_1378, %reduce_max3A_1379 [0] : vector<256x256xf32> to vector<256xf32>
      %broadcast_in_dim3A_1381 = vector.shape_cast %reduce_max3A_1380 : vector<256xf32> to vector<1x256xf32>
      %sub3A_1382 = arith.constant 1.000000e+00 : f32
      %sub3A_1383 = vector.broadcast %sub3A_1382 : f32 to vector<1x256xf32>
      %sub3A_1384 = arith.subf %sub3A_1383, %broadcast_in_dim3A_1381 : vector<1x256xf32>
      %mul3A_1385 = arith.mulf %get3A_681, %sub3A_1384 : vector<1x256xf32>
      %mul3A_1386 = vector.broadcast %mul3A_1385 : vector<1x256xf32> to vector<256x256xf32>
      %mul3A_1387 = arith.mulf %mul3A_1386, %select_n3A_37 : vector<256x256xf32>
      %reduce_sum3A_1388 = arith.constant dense<0.000000e+00> : vector<256xf32>
      %reduce_sum3A_1389 = vector.multi_reduction <add>, %mul3A_1387, %reduce_sum3A_1388 [1] : vector<256x256xf32> to vector<256xf32>
      %broadcast_in_dim3A_1390 = vector.shape_cast %reduce_sum3A_1389 : vector<256xf32> to vector<256x1xf32>
      %mul3A_1391 = vector.broadcast %broadcast_in_dim3A_1390 : vector<256x1xf32> to vector<256x256xf32>
      %mul3A_1392 = arith.mulf %mul3A_678, %mul3A_1391 : vector<256x256xf32>
      %reduce_max3A_1393 = arith.constant dense<0xFF800000> : vector<256xf32>
      %reduce_max3A_1394 = vector.multi_reduction <maximumf>, %mul3A_1392, %reduce_max3A_1393 [0] : vector<256x256xf32> to vector<256xf32>
      %broadcast_in_dim3A_1395 = vector.shape_cast %reduce_max3A_1394 : vector<256xf32> to vector<1x256xf32>
      %sub3A_1396 = arith.constant 1.000000e+00 : f32
      %sub3A_1397 = vector.broadcast %sub3A_1396 : f32 to vector<1x256xf32>
      %sub3A_1398 = arith.subf %sub3A_1397, %broadcast_in_dim3A_1395 : vector<1x256xf32>
      %mul3A_1399 = arith.mulf %get3A_681, %sub3A_1398 : vector<1x256xf32>
      scf.yield %mul3A_1385, %mul3A_1399 : vector<1x256xf32>, vector<1x256xf32>
    }
    %swap3A_711 = arith.constant 0 : index
    %swap3A_712 = arith.constant 1024 : index
    %swap3A_713 = vector.load %arg5[%swap3A_711, %swap3A_712] : memref<1x2048xf32, #tpu.memory_space<vmem>>, vector<1x256xf32>
    tpu.vector_store %arg5[%swap3A_711, %swap3A_712], %while3A_710#0 {strides = array<i32>} : memref<1x2048xf32, #tpu.memory_space<vmem>>, vector<1x256xf32>,
    %mul3A_714 = vector.broadcast %while3A_710#0 : vector<1x256xf32> to vector<256x256xf32>
    %mul3A_715 = arith.mulf %mul3A_714, %select_n3A_37 : vector<256x256xf32>
    %reduce_sum3A_716 = arith.constant dense<0.000000e+00> : vector<256xf32>
    %reduce_sum3A_717 = vector.multi_reduction <add>, %mul3A_715, %reduce_sum3A_716 [1] : vector<256x256xf32> to vector<256xf32>
    %broadcast_in_dim3A_718 = vector.shape_cast %reduce_sum3A_717 : vector<256xf32> to vector<256x1xf32>
    %swap3A_719 = arith.constant 1024 : index
    %swap3A_720 = arith.constant 0 : index
    %swap3A_721 = vector.load %arg6[%swap3A_719, %swap3A_720] : memref<2048x1xf32, #tpu.memory_space<vmem>>, vector<256x1xf32>
    tpu.vector_store %arg6[%swap3A_719, %swap3A_720], %broadcast_in_dim3A_718 {strides = array<i32>} : memref<2048x1xf32, #tpu.memory_space<vmem>>, vector<256x1xf32>,
    %mul3A_722 = vector.broadcast %while3A_710#0 : vector<1x256xf32> to vector<256x256xf32>
    %mul3A_723 = arith.mulf %select_n3A_43, %mul3A_722 : vector<256x256xf32>
    %reduce_sum3A_724 = arith.constant dense<0.000000e+00> : vector<256xf32>
    %reduce_sum3A_725 = vector.multi_reduction <add>, %mul3A_723, %reduce_sum3A_724 [1] : vector<256x256xf32> to vector<256xf32>
    %broadcast_in_dim3A_726 = vector.shape_cast %reduce_sum3A_725 : vector<256xf32> to vector<256x1xf32>
    %add3A_727 = vector.broadcast %add3A_592 : vector<1x1xf32> to vector<256x1xf32>
    %add3A_728 = arith.addf %broadcast_in_dim3A_726, %add3A_727 : vector<256x1xf32>
    %swap3A_729 = arith.constant 1024 : index
    %swap3A_730 = arith.constant 0 : index
    %swap3A_731 = vector.load %arg7[%swap3A_729, %swap3A_730] : memref<2048x1xf32, #tpu.memory_space<vmem>>, vector<256x1xf32>
    tpu.vector_store %arg7[%swap3A_729, %swap3A_730], %add3A_728 {strides = array<i32>} : memref<2048x1xf32, #tpu.memory_space<vmem>>, vector<256x1xf32>,
    %reduce_sum3A_732 = vector.shape_cast %while3A_710#0 : vector<1x256xf32> to vector<1x1x256xf32>
    %reduce_sum3A_733 = arith.constant dense<0.000000e+00> : vector<1xf32>
    %reduce_sum3A_734 = vector.multi_reduction <add>, %reduce_sum3A_732, %reduce_sum3A_733 [1, 2] : vector<1x1x256xf32> to vector<1xf32>
    %reduce_sum3A_735 = vector.shape_cast %reduce_sum3A_734 : vector<1xf32> to vector<1x1x1xf32>
    %reduce_sum3A_736 = vector.extract %reduce_sum3A_735[0, 0, 0] : f32 from vector<1x1x1xf32>
    %broadcast_in_dim3A_737 = vector.broadcast %reduce_sum3A_736 : f32 to vector<1x1xf32>
    %add3A_738 = arith.addf %add3A_592, %broadcast_in_dim3A_737 : vector<1x1xf32>
    %get3A_739 = arith.constant 0 : index
    %get3A_740 = arith.constant 0 : index
    %get3A_741 = vector.load %arg8[%get3A_739, %get3A_740] : memref<256x2048xf32, #tpu.memory_space<vmem>>, vector<256x2048xf32>
    %mul3A_742 = vector.broadcast %broadcast_in_dim3A_718 : vector<256x1xf32> to vector<256x2048xf32>
    %mul3A_743 = arith.mulf %get3A_741, %mul3A_742 : vector<256x2048xf32>
    %reduce_max3A_744 = arith.constant dense<0xFF800000> : vector<2048xf32>
    %reduce_max3A_745 = vector.multi_reduction <maximumf>, %mul3A_743, %reduce_max3A_744 [0] : vector<256x2048xf32> to vector<2048xf32>
    %broadcast_in_dim3A_746 = vector.shape_cast %reduce_max3A_745 : vector<2048xf32> to vector<1x2048xf32>
    %ge3A_747 = arith.constant 1280 : i32
    %ge3A_748 = vector.broadcast %ge3A_747 : i32 to vector<1x2048xi32>
    %ge3A_749 = arith.cmpi sge, %iota3A, %ge3A_748 : vector<1x2048xi32>
    %jit3A_750 = arith.constant 1.000000e+00 : f32
    %jit3A_751 = arith.constant 0.000000e+00 : f32
    %broadcast_in_dim3A_752 = vector.broadcast %jit3A_750 : f32 to vector<1x2048xf32>
    %broadcast_in_dim3A_753 = vector.broadcast %jit3A_751 : f32 to vector<1x2048xf32>
    %select_n3A_754 = arith.select %ge3A_749, %broadcast_in_dim3A_752, %broadcast_in_dim3A_753 : vector<1x2048xi1>, vector<1x2048xf32>
    %get3A_755 = arith.constant 0 : index
    %get3A_756 = arith.constant 0 : index
    %get3A_757 = vector.load %arg5[%get3A_755, %get3A_756] : memref<1x2048xf32, #tpu.memory_space<vmem>>, vector<1x2048xf32>
    %mul3A_758 = arith.mulf %broadcast_in_dim3A_746, %select_n3A_754 : vector<1x2048xf32>
    %sub3A_759 = arith.constant 1.000000e+00 : f32
    %sub3A_760 = vector.broadcast %sub3A_759 : f32 to vector<1x2048xf32>
    %sub3A_761 = arith.subf %sub3A_760, %mul3A_758 : vector<1x2048xf32>
    %mul3A_762 = arith.mulf %get3A_757, %sub3A_761 : vector<1x2048xf32>
    %swap3A_763 = arith.constant 0 : index
    %swap3A_764 = arith.constant 0 : index
    %swap3A_765 = vector.load %arg5[%swap3A_763, %swap3A_764] : memref<1x2048xf32, #tpu.memory_space<vmem>>, vector<1x2048xf32>
    tpu.vector_store %arg5[%swap3A_763, %swap3A_764], %mul3A_762 {strides = array<i32>} : memref<1x2048xf32, #tpu.memory_space<vmem>>, vector<1x2048xf32>,
    %get3A_766 = arith.constant 1280 : index
    %get3A_767 = arith.constant 0 : index
    %get3A_768 = vector.load %arg0[%get3A_766, %get3A_767] : memref<2048x8xf32, #tpu.memory_space<vmem>>, vector<256x1xf32>
    %get3A_769 = arith.constant 1280 : index
    %get3A_770 = arith.constant 1 : index
    %get3A_771 = vector.load %arg0[%get3A_769, %get3A_770] : memref<2048x8xf32, #tpu.memory_space<vmem>>, vector<256x1xf32>
    %get3A_772 = arith.constant 1280 : index
    %get3A_773 = arith.constant 2 : index
    %get3A_774 = vector.load %arg0[%get3A_772, %get3A_773] : memref<2048x8xf32, #tpu.memory_space<vmem>>, vector<256x1xf32>
    %get3A_775 = arith.constant 1280 : index
    %get3A_776 = arith.constant 3 : index
    %get3A_777 = vector.load %arg0[%get3A_775, %get3A_776] : memref<2048x8xf32, #tpu.memory_space<vmem>>, vector<256x1xf32>
    %get3A_778 = arith.constant 1280 : index
    %get3A_779 = arith.constant 5 : index
    %get3A_780 = vector.load %arg0[%get3A_778, %get3A_779] : memref<2048x8xf32, #tpu.memory_space<vmem>>, vector<256x1xf32>
    %min3A_781 = vector.broadcast %get3A_774 : vector<256x1xf32> to vector<256x2048xf32>
    %min3A_782 = vector.broadcast %get3A_7 : vector<1x2048xf32> to vector<256x2048xf32>
    %min3A_783 = arith.minimumf %min3A_781, %min3A_782 : vector<256x2048xf32>
    %max3A_784 = vector.broadcast %get3A_768 : vector<256x1xf32> to vector<256x2048xf32>
    %max3A_785 = vector.broadcast %get3A_1 : vector<1x2048xf32> to vector<256x2048xf32>
    %max3A_786 = arith.maximumf %max3A_784, %max3A_785 : vector<256x2048xf32>
    %sub3A_787 = arith.subf %min3A_783, %max3A_786 : vector<256x2048xf32>
    %max3A_788 = arith.constant 0.000000e+00 : f32
    %max3A_789 = vector.broadcast %max3A_788 : f32 to vector<256x2048xf32>
    %max3A_790 = arith.maximumf %sub3A_787, %max3A_789 : vector<256x2048xf32>
    %min3A_791 = vector.broadcast %get3A_777 : vector<256x1xf32> to vector<256x2048xf32>
    %min3A_792 = vector.broadcast %get3A_10 : vector<1x2048xf32> to vector<256x2048xf32>
    %min3A_793 = arith.minimumf %min3A_791, %min3A_792 : vector<256x2048xf32>
    %max3A_794 = vector.broadcast %get3A_771 : vector<256x1xf32> to vector<256x2048xf32>
    %max3A_795 = vector.broadcast %get3A_4 : vector<1x2048xf32> to vector<256x2048xf32>
    %max3A_796 = arith.maximumf %max3A_794, %max3A_795 : vector<256x2048xf32>
    %sub3A_797 = arith.subf %min3A_793, %max3A_796 : vector<256x2048xf32>
    %max3A_798 = arith.constant 0.000000e+00 : f32
    %max3A_799 = vector.broadcast %max3A_798 : f32 to vector<256x2048xf32>
    %max3A_800 = arith.maximumf %sub3A_797, %max3A_799 : vector<256x2048xf32>
    %mul3A_801 = arith.mulf %max3A_790, %max3A_800 : vector<256x2048xf32>
    %add3A_802 = vector.broadcast %get3A_780 : vector<256x1xf32> to vector<256x2048xf32>
    %add3A_803 = vector.broadcast %get3A_16 : vector<1x2048xf32> to vector<256x2048xf32>
    %add3A_804 = arith.addf %add3A_802, %add3A_803 : vector<256x2048xf32>
    %sub3A_805 = arith.subf %add3A_804, %mul3A_801 : vector<256x2048xf32>
    %max3A_806 = arith.constant 9.99999971E-10 : f32
    %max3A_807 = vector.broadcast %max3A_806 : f32 to vector<256x2048xf32>
    %max3A_808 = arith.maximumf %sub3A_805, %max3A_807 : vector<256x2048xf32>
    %div3A_809 = arith.divf %mul3A_801, %max3A_808 : vector<256x2048xf32>
    %gt3A_810 = arith.constant 4.500000e-01 : f32
    %gt3A_811 = vector.broadcast %gt3A_810 : f32 to vector<256x2048xf32>
    %gt3A_812 = arith.cmpf ogt, %div3A_809, %gt3A_811 : vector<256x2048xf32>
    %jit3A_813 = arith.constant 1.000000e+00 : f32
    %jit3A_814 = arith.constant 0.000000e+00 : f32
    %broadcast_in_dim3A_815 = vector.broadcast %jit3A_813 : f32 to vector<256x2048xf32>
    %broadcast_in_dim3A_816 = vector.broadcast %jit3A_814 : f32 to vector<256x2048xf32>
    %select_n3A_817 = arith.select %gt3A_812, %broadcast_in_dim3A_815, %broadcast_in_dim3A_816 : vector<256x2048xi1>, vector<256x2048xf32>
    %swap3A_818 = arith.constant 0 : index
    %swap3A_819 = arith.constant 0 : index
    %swap3A_820 = vector.load %arg8[%swap3A_818, %swap3A_819] : memref<256x2048xf32, #tpu.memory_space<vmem>>, vector<256x2048xf32>
    tpu.vector_store %arg8[%swap3A_818, %swap3A_819], %select_n3A_817 {strides = array<i32>} : memref<256x2048xf32, #tpu.memory_space<vmem>>, vector<256x2048xf32>,
    %get3A_821 = arith.constant 0 : index
    %get3A_822 = arith.constant 1280 : index
    %get3A_823 = vector.load %arg8[%get3A_821, %get3A_822] : memref<256x2048xf32, #tpu.memory_space<vmem>>, vector<256x256xf32>
    %mul3A_824 = arith.mulf %get3A_823, %select_n3A_32 : vector<256x256xf32>
    %get3A_825 = arith.constant 0 : index
    %get3A_826 = arith.constant 1280 : index
    %get3A_827 = vector.load %arg5[%get3A_825, %get3A_826] : memref<1x2048xf32, #tpu.memory_space<vmem>>, vector<1x256xf32>
    %mul3A_828 = vector.broadcast %get3A_827 : vector<1x256xf32> to vector<256x256xf32>
    %mul3A_829 = arith.mulf %mul3A_828, %select_n3A_37 : vector<256x256xf32>
    %reduce_sum3A_830 = arith.constant dense<0.000000e+00> : vector<256xf32>
    %reduce_sum3A_831 = vector.multi_reduction <add>, %mul3A_829, %reduce_sum3A_830 [1] : vector<256x256xf32> to vector<256xf32>
    %broadcast_in_dim3A_832 = vector.shape_cast %reduce_sum3A_831 : vector<256xf32> to vector<256x1xf32>
    %mul3A_833 = vector.broadcast %broadcast_in_dim3A_832 : vector<256x1xf32> to vector<256x256xf32>
    %mul3A_834 = arith.mulf %mul3A_824, %mul3A_833 : vector<256x256xf32>
    %reduce_max3A_835 = arith.constant dense<0xFF800000> : vector<256xf32>
    %reduce_max3A_836 = vector.multi_reduction <maximumf>, %mul3A_834, %reduce_max3A_835 [0] : vector<256x256xf32> to vector<256xf32>
    %broadcast_in_dim3A_837 = vector.shape_cast %reduce_max3A_836 : vector<256xf32> to vector<1x256xf32>
    %sub3A_838 = arith.constant 1.000000e+00 : f32
    %sub3A_839 = vector.broadcast %sub3A_838 : f32 to vector<1x256xf32>
    %sub3A_840 = arith.subf %sub3A_839, %broadcast_in_dim3A_837 : vector<1x256xf32>
    %mul3A_841 = arith.mulf %get3A_827, %sub3A_840 : vector<1x256xf32>
    %mul3A_842 = vector.broadcast %mul3A_841 : vector<1x256xf32> to vector<256x256xf32>
    %mul3A_843 = arith.mulf %mul3A_842, %select_n3A_37 : vector<256x256xf32>
    %reduce_sum3A_844 = arith.constant dense<0.000000e+00> : vector<256xf32>
    %reduce_sum3A_845 = vector.multi_reduction <add>, %mul3A_843, %reduce_sum3A_844 [1] : vector<256x256xf32> to vector<256xf32>
    %broadcast_in_dim3A_846 = vector.shape_cast %reduce_sum3A_845 : vector<256xf32> to vector<256x1xf32>
    %mul3A_847 = vector.broadcast %broadcast_in_dim3A_846 : vector<256x1xf32> to vector<256x256xf32>
    %mul3A_848 = arith.mulf %mul3A_824, %mul3A_847 : vector<256x256xf32>
    %reduce_max3A_849 = arith.constant dense<0xFF800000> : vector<256xf32>
    %reduce_max3A_850 = vector.multi_reduction <maximumf>, %mul3A_848, %reduce_max3A_849 [0] : vector<256x256xf32> to vector<256xf32>
    %broadcast_in_dim3A_851 = vector.shape_cast %reduce_max3A_850 : vector<256xf32> to vector<1x256xf32>
    %sub3A_852 = arith.constant 1.000000e+00 : f32
    %sub3A_853 = vector.broadcast %sub3A_852 : f32 to vector<1x256xf32>
    %sub3A_854 = arith.subf %sub3A_853, %broadcast_in_dim3A_851 : vector<1x256xf32>
    %mul3A_855 = arith.mulf %get3A_827, %sub3A_854 : vector<1x256xf32>
    %while3A_856:2 = scf.while (%while3A_1370 = %mul3A_841, %while3A_1371 = %mul3A_855) : (vector<1x256xf32>, vector<1x256xf32>) -> (vector<1x256xf32>, vector<1x256xf32>) {
      %sub3A_1372 = arith.subf %while3A_1371, %while3A_1370 : vector<1x256xf32>
      %reduce_sum3A_1373 = vector.shape_cast %sub3A_1372 : vector<1x256xf32> to vector<1x1x256xf32>
      %reduce_sum3A_1374 = arith.constant dense<0.000000e+00> : vector<1xf32>
      %reduce_sum3A_1375 = vector.multi_reduction <add>, %reduce_sum3A_1373, %reduce_sum3A_1374 [1, 2] : vector<1x1x256xf32> to vector<1xf32>
      %reduce_sum3A_1376 = vector.shape_cast %reduce_sum3A_1375 : vector<1xf32> to vector<1x1x1xf32>
      %reduce_sum3A_1377 = vector.extract %reduce_sum3A_1376[0, 0, 0] : f32 from vector<1x1x1xf32>
      %gt3A_1378 = arith.constant 0.000000e+00 : f32
      %gt3A_1379 = arith.cmpf ogt, %reduce_sum3A_1377, %gt3A_1378 : f32
      scf.condition(%gt3A_1379) %while3A_1370, %while3A_1371 : vector<1x256xf32>, vector<1x256xf32>
    } do {
    ^bb0(%while3A_1370: vector<1x256xf32>, %while3A_1371: vector<1x256xf32>):
      %mul3A_1372 = vector.broadcast %while3A_1371 : vector<1x256xf32> to vector<256x256xf32>
      %mul3A_1373 = arith.mulf %mul3A_1372, %select_n3A_37 : vector<256x256xf32>
      %reduce_sum3A_1374 = arith.constant dense<0.000000e+00> : vector<256xf32>
      %reduce_sum3A_1375 = vector.multi_reduction <add>, %mul3A_1373, %reduce_sum3A_1374 [1] : vector<256x256xf32> to vector<256xf32>
      %broadcast_in_dim3A_1376 = vector.shape_cast %reduce_sum3A_1375 : vector<256xf32> to vector<256x1xf32>
      %mul3A_1377 = vector.broadcast %broadcast_in_dim3A_1376 : vector<256x1xf32> to vector<256x256xf32>
      %mul3A_1378 = arith.mulf %mul3A_824, %mul3A_1377 : vector<256x256xf32>
      %reduce_max3A_1379 = arith.constant dense<0xFF800000> : vector<256xf32>
      %reduce_max3A_1380 = vector.multi_reduction <maximumf>, %mul3A_1378, %reduce_max3A_1379 [0] : vector<256x256xf32> to vector<256xf32>
      %broadcast_in_dim3A_1381 = vector.shape_cast %reduce_max3A_1380 : vector<256xf32> to vector<1x256xf32>
      %sub3A_1382 = arith.constant 1.000000e+00 : f32
      %sub3A_1383 = vector.broadcast %sub3A_1382 : f32 to vector<1x256xf32>
      %sub3A_1384 = arith.subf %sub3A_1383, %broadcast_in_dim3A_1381 : vector<1x256xf32>
      %mul3A_1385 = arith.mulf %get3A_827, %sub3A_1384 : vector<1x256xf32>
      %mul3A_1386 = vector.broadcast %mul3A_1385 : vector<1x256xf32> to vector<256x256xf32>
      %mul3A_1387 = arith.mulf %mul3A_1386, %select_n3A_37 : vector<256x256xf32>
      %reduce_sum3A_1388 = arith.constant dense<0.000000e+00> : vector<256xf32>
      %reduce_sum3A_1389 = vector.multi_reduction <add>, %mul3A_1387, %reduce_sum3A_1388 [1] : vector<256x256xf32> to vector<256xf32>
      %broadcast_in_dim3A_1390 = vector.shape_cast %reduce_sum3A_1389 : vector<256xf32> to vector<256x1xf32>
      %mul3A_1391 = vector.broadcast %broadcast_in_dim3A_1390 : vector<256x1xf32> to vector<256x256xf32>
      %mul3A_1392 = arith.mulf %mul3A_824, %mul3A_1391 : vector<256x256xf32>
      %reduce_max3A_1393 = arith.constant dense<0xFF800000> : vector<256xf32>
      %reduce_max3A_1394 = vector.multi_reduction <maximumf>, %mul3A_1392, %reduce_max3A_1393 [0] : vector<256x256xf32> to vector<256xf32>
      %broadcast_in_dim3A_1395 = vector.shape_cast %reduce_max3A_1394 : vector<256xf32> to vector<1x256xf32>
      %sub3A_1396 = arith.constant 1.000000e+00 : f32
      %sub3A_1397 = vector.broadcast %sub3A_1396 : f32 to vector<1x256xf32>
      %sub3A_1398 = arith.subf %sub3A_1397, %broadcast_in_dim3A_1395 : vector<1x256xf32>
      %mul3A_1399 = arith.mulf %get3A_827, %sub3A_1398 : vector<1x256xf32>
      scf.yield %mul3A_1385, %mul3A_1399 : vector<1x256xf32>, vector<1x256xf32>
    }
    %swap3A_857 = arith.constant 0 : index
    %swap3A_858 = arith.constant 1280 : index
    %swap3A_859 = vector.load %arg5[%swap3A_857, %swap3A_858] : memref<1x2048xf32, #tpu.memory_space<vmem>>, vector<1x256xf32>
    tpu.vector_store %arg5[%swap3A_857, %swap3A_858], %while3A_856#0 {strides = array<i32>} : memref<1x2048xf32, #tpu.memory_space<vmem>>, vector<1x256xf32>,
    %mul3A_860 = vector.broadcast %while3A_856#0 : vector<1x256xf32> to vector<256x256xf32>
    %mul3A_861 = arith.mulf %mul3A_860, %select_n3A_37 : vector<256x256xf32>
    %reduce_sum3A_862 = arith.constant dense<0.000000e+00> : vector<256xf32>
    %reduce_sum3A_863 = vector.multi_reduction <add>, %mul3A_861, %reduce_sum3A_862 [1] : vector<256x256xf32> to vector<256xf32>
    %broadcast_in_dim3A_864 = vector.shape_cast %reduce_sum3A_863 : vector<256xf32> to vector<256x1xf32>
    %swap3A_865 = arith.constant 1280 : index
    %swap3A_866 = arith.constant 0 : index
    %swap3A_867 = vector.load %arg6[%swap3A_865, %swap3A_866] : memref<2048x1xf32, #tpu.memory_space<vmem>>, vector<256x1xf32>
    tpu.vector_store %arg6[%swap3A_865, %swap3A_866], %broadcast_in_dim3A_864 {strides = array<i32>} : memref<2048x1xf32, #tpu.memory_space<vmem>>, vector<256x1xf32>,
    %mul3A_868 = vector.broadcast %while3A_856#0 : vector<1x256xf32> to vector<256x256xf32>
    %mul3A_869 = arith.mulf %select_n3A_43, %mul3A_868 : vector<256x256xf32>
    %reduce_sum3A_870 = arith.constant dense<0.000000e+00> : vector<256xf32>
    %reduce_sum3A_871 = vector.multi_reduction <add>, %mul3A_869, %reduce_sum3A_870 [1] : vector<256x256xf32> to vector<256xf32>
    %broadcast_in_dim3A_872 = vector.shape_cast %reduce_sum3A_871 : vector<256xf32> to vector<256x1xf32>
    %add3A_873 = vector.broadcast %add3A_738 : vector<1x1xf32> to vector<256x1xf32>
    %add3A_874 = arith.addf %broadcast_in_dim3A_872, %add3A_873 : vector<256x1xf32>
    %swap3A_875 = arith.constant 1280 : index
    %swap3A_876 = arith.constant 0 : index
    %swap3A_877 = vector.load %arg7[%swap3A_875, %swap3A_876] : memref<2048x1xf32, #tpu.memory_space<vmem>>, vector<256x1xf32>
    tpu.vector_store %arg7[%swap3A_875, %swap3A_876], %add3A_874 {strides = array<i32>} : memref<2048x1xf32, #tpu.memory_space<vmem>>, vector<256x1xf32>,
    %reduce_sum3A_878 = vector.shape_cast %while3A_856#0 : vector<1x256xf32> to vector<1x1x256xf32>
    %reduce_sum3A_879 = arith.constant dense<0.000000e+00> : vector<1xf32>
    %reduce_sum3A_880 = vector.multi_reduction <add>, %reduce_sum3A_878, %reduce_sum3A_879 [1, 2] : vector<1x1x256xf32> to vector<1xf32>
    %reduce_sum3A_881 = vector.shape_cast %reduce_sum3A_880 : vector<1xf32> to vector<1x1x1xf32>
    %reduce_sum3A_882 = vector.extract %reduce_sum3A_881[0, 0, 0] : f32 from vector<1x1x1xf32>
    %broadcast_in_dim3A_883 = vector.broadcast %reduce_sum3A_882 : f32 to vector<1x1xf32>
    %add3A_884 = arith.addf %add3A_738, %broadcast_in_dim3A_883 : vector<1x1xf32>
    %get3A_885 = arith.constant 0 : index
    %get3A_886 = arith.constant 0 : index
    %get3A_887 = vector.load %arg8[%get3A_885, %get3A_886] : memref<256x2048xf32, #tpu.memory_space<vmem>>, vector<256x2048xf32>
    %mul3A_888 = vector.broadcast %broadcast_in_dim3A_864 : vector<256x1xf32> to vector<256x2048xf32>
    %mul3A_889 = arith.mulf %get3A_887, %mul3A_888 : vector<256x2048xf32>
    %reduce_max3A_890 = arith.constant dense<0xFF800000> : vector<2048xf32>
    %reduce_max3A_891 = vector.multi_reduction <maximumf>, %mul3A_889, %reduce_max3A_890 [0] : vector<256x2048xf32> to vector<2048xf32>
    %broadcast_in_dim3A_892 = vector.shape_cast %reduce_max3A_891 : vector<2048xf32> to vector<1x2048xf32>
    %ge3A_893 = arith.constant 1536 : i32
    %ge3A_894 = vector.broadcast %ge3A_893 : i32 to vector<1x2048xi32>
    %ge3A_895 = arith.cmpi sge, %iota3A, %ge3A_894 : vector<1x2048xi32>
    %jit3A_896 = arith.constant 1.000000e+00 : f32
    %jit3A_897 = arith.constant 0.000000e+00 : f32
    %broadcast_in_dim3A_898 = vector.broadcast %jit3A_896 : f32 to vector<1x2048xf32>
    %broadcast_in_dim3A_899 = vector.broadcast %jit3A_897 : f32 to vector<1x2048xf32>
    %select_n3A_900 = arith.select %ge3A_895, %broadcast_in_dim3A_898, %broadcast_in_dim3A_899 : vector<1x2048xi1>, vector<1x2048xf32>
    %get3A_901 = arith.constant 0 : index
    %get3A_902 = arith.constant 0 : index
    %get3A_903 = vector.load %arg5[%get3A_901, %get3A_902] : memref<1x2048xf32, #tpu.memory_space<vmem>>, vector<1x2048xf32>
    %mul3A_904 = arith.mulf %broadcast_in_dim3A_892, %select_n3A_900 : vector<1x2048xf32>
    %sub3A_905 = arith.constant 1.000000e+00 : f32
    %sub3A_906 = vector.broadcast %sub3A_905 : f32 to vector<1x2048xf32>
    %sub3A_907 = arith.subf %sub3A_906, %mul3A_904 : vector<1x2048xf32>
    %mul3A_908 = arith.mulf %get3A_903, %sub3A_907 : vector<1x2048xf32>
    %swap3A_909 = arith.constant 0 : index
    %swap3A_910 = arith.constant 0 : index
    %swap3A_911 = vector.load %arg5[%swap3A_909, %swap3A_910] : memref<1x2048xf32, #tpu.memory_space<vmem>>, vector<1x2048xf32>
    tpu.vector_store %arg5[%swap3A_909, %swap3A_910], %mul3A_908 {strides = array<i32>} : memref<1x2048xf32, #tpu.memory_space<vmem>>, vector<1x2048xf32>,
    %get3A_912 = arith.constant 1536 : index
    %get3A_913 = arith.constant 0 : index
    %get3A_914 = vector.load %arg0[%get3A_912, %get3A_913] : memref<2048x8xf32, #tpu.memory_space<vmem>>, vector<256x1xf32>
    %get3A_915 = arith.constant 1536 : index
    %get3A_916 = arith.constant 1 : index
    %get3A_917 = vector.load %arg0[%get3A_915, %get3A_916] : memref<2048x8xf32, #tpu.memory_space<vmem>>, vector<256x1xf32>
    %get3A_918 = arith.constant 1536 : index
    %get3A_919 = arith.constant 2 : index
    %get3A_920 = vector.load %arg0[%get3A_918, %get3A_919] : memref<2048x8xf32, #tpu.memory_space<vmem>>, vector<256x1xf32>
    %get3A_921 = arith.constant 1536 : index
    %get3A_922 = arith.constant 3 : index
    %get3A_923 = vector.load %arg0[%get3A_921, %get3A_922] : memref<2048x8xf32, #tpu.memory_space<vmem>>, vector<256x1xf32>
    %get3A_924 = arith.constant 1536 : index
    %get3A_925 = arith.constant 5 : index
    %get3A_926 = vector.load %arg0[%get3A_924, %get3A_925] : memref<2048x8xf32, #tpu.memory_space<vmem>>, vector<256x1xf32>
    %min3A_927 = vector.broadcast %get3A_920 : vector<256x1xf32> to vector<256x2048xf32>
    %min3A_928 = vector.broadcast %get3A_7 : vector<1x2048xf32> to vector<256x2048xf32>
    %min3A_929 = arith.minimumf %min3A_927, %min3A_928 : vector<256x2048xf32>
    %max3A_930 = vector.broadcast %get3A_914 : vector<256x1xf32> to vector<256x2048xf32>
    %max3A_931 = vector.broadcast %get3A_1 : vector<1x2048xf32> to vector<256x2048xf32>
    %max3A_932 = arith.maximumf %max3A_930, %max3A_931 : vector<256x2048xf32>
    %sub3A_933 = arith.subf %min3A_929, %max3A_932 : vector<256x2048xf32>
    %max3A_934 = arith.constant 0.000000e+00 : f32
    %max3A_935 = vector.broadcast %max3A_934 : f32 to vector<256x2048xf32>
    %max3A_936 = arith.maximumf %sub3A_933, %max3A_935 : vector<256x2048xf32>
    %min3A_937 = vector.broadcast %get3A_923 : vector<256x1xf32> to vector<256x2048xf32>
    %min3A_938 = vector.broadcast %get3A_10 : vector<1x2048xf32> to vector<256x2048xf32>
    %min3A_939 = arith.minimumf %min3A_937, %min3A_938 : vector<256x2048xf32>
    %max3A_940 = vector.broadcast %get3A_917 : vector<256x1xf32> to vector<256x2048xf32>
    %max3A_941 = vector.broadcast %get3A_4 : vector<1x2048xf32> to vector<256x2048xf32>
    %max3A_942 = arith.maximumf %max3A_940, %max3A_941 : vector<256x2048xf32>
    %sub3A_943 = arith.subf %min3A_939, %max3A_942 : vector<256x2048xf32>
    %max3A_944 = arith.constant 0.000000e+00 : f32
    %max3A_945 = vector.broadcast %max3A_944 : f32 to vector<256x2048xf32>
    %max3A_946 = arith.maximumf %sub3A_943, %max3A_945 : vector<256x2048xf32>
    %mul3A_947 = arith.mulf %max3A_936, %max3A_946 : vector<256x2048xf32>
    %add3A_948 = vector.broadcast %get3A_926 : vector<256x1xf32> to vector<256x2048xf32>
    %add3A_949 = vector.broadcast %get3A_16 : vector<1x2048xf32> to vector<256x2048xf32>
    %add3A_950 = arith.addf %add3A_948, %add3A_949 : vector<256x2048xf32>
    %sub3A_951 = arith.subf %add3A_950, %mul3A_947 : vector<256x2048xf32>
    %max3A_952 = arith.constant 9.99999971E-10 : f32
    %max3A_953 = vector.broadcast %max3A_952 : f32 to vector<256x2048xf32>
    %max3A_954 = arith.maximumf %sub3A_951, %max3A_953 : vector<256x2048xf32>
    %div3A_955 = arith.divf %mul3A_947, %max3A_954 : vector<256x2048xf32>
    %gt3A_956 = arith.constant 4.500000e-01 : f32
    %gt3A_957 = vector.broadcast %gt3A_956 : f32 to vector<256x2048xf32>
    %gt3A_958 = arith.cmpf ogt, %div3A_955, %gt3A_957 : vector<256x2048xf32>
    %jit3A_959 = arith.constant 1.000000e+00 : f32
    %jit3A_960 = arith.constant 0.000000e+00 : f32
    %broadcast_in_dim3A_961 = vector.broadcast %jit3A_959 : f32 to vector<256x2048xf32>
    %broadcast_in_dim3A_962 = vector.broadcast %jit3A_960 : f32 to vector<256x2048xf32>
    %select_n3A_963 = arith.select %gt3A_958, %broadcast_in_dim3A_961, %broadcast_in_dim3A_962 : vector<256x2048xi1>, vector<256x2048xf32>
    %swap3A_964 = arith.constant 0 : index
    %swap3A_965 = arith.constant 0 : index
    %swap3A_966 = vector.load %arg8[%swap3A_964, %swap3A_965] : memref<256x2048xf32, #tpu.memory_space<vmem>>, vector<256x2048xf32>
    tpu.vector_store %arg8[%swap3A_964, %swap3A_965], %select_n3A_963 {strides = array<i32>} : memref<256x2048xf32, #tpu.memory_space<vmem>>, vector<256x2048xf32>,
    %get3A_967 = arith.constant 0 : index
    %get3A_968 = arith.constant 1536 : index
    %get3A_969 = vector.load %arg8[%get3A_967, %get3A_968] : memref<256x2048xf32, #tpu.memory_space<vmem>>, vector<256x256xf32>
    %mul3A_970 = arith.mulf %get3A_969, %select_n3A_32 : vector<256x256xf32>
    %get3A_971 = arith.constant 0 : index
    %get3A_972 = arith.constant 1536 : index
    %get3A_973 = vector.load %arg5[%get3A_971, %get3A_972] : memref<1x2048xf32, #tpu.memory_space<vmem>>, vector<1x256xf32>
    %mul3A_974 = vector.broadcast %get3A_973 : vector<1x256xf32> to vector<256x256xf32>
    %mul3A_975 = arith.mulf %mul3A_974, %select_n3A_37 : vector<256x256xf32>
    %reduce_sum3A_976 = arith.constant dense<0.000000e+00> : vector<256xf32>
    %reduce_sum3A_977 = vector.multi_reduction <add>, %mul3A_975, %reduce_sum3A_976 [1] : vector<256x256xf32> to vector<256xf32>
    %broadcast_in_dim3A_978 = vector.shape_cast %reduce_sum3A_977 : vector<256xf32> to vector<256x1xf32>
    %mul3A_979 = vector.broadcast %broadcast_in_dim3A_978 : vector<256x1xf32> to vector<256x256xf32>
    %mul3A_980 = arith.mulf %mul3A_970, %mul3A_979 : vector<256x256xf32>
    %reduce_max3A_981 = arith.constant dense<0xFF800000> : vector<256xf32>
    %reduce_max3A_982 = vector.multi_reduction <maximumf>, %mul3A_980, %reduce_max3A_981 [0] : vector<256x256xf32> to vector<256xf32>
    %broadcast_in_dim3A_983 = vector.shape_cast %reduce_max3A_982 : vector<256xf32> to vector<1x256xf32>
    %sub3A_984 = arith.constant 1.000000e+00 : f32
    %sub3A_985 = vector.broadcast %sub3A_984 : f32 to vector<1x256xf32>
    %sub3A_986 = arith.subf %sub3A_985, %broadcast_in_dim3A_983 : vector<1x256xf32>
    %mul3A_987 = arith.mulf %get3A_973, %sub3A_986 : vector<1x256xf32>
    %mul3A_988 = vector.broadcast %mul3A_987 : vector<1x256xf32> to vector<256x256xf32>
    %mul3A_989 = arith.mulf %mul3A_988, %select_n3A_37 : vector<256x256xf32>
    %reduce_sum3A_990 = arith.constant dense<0.000000e+00> : vector<256xf32>
    %reduce_sum3A_991 = vector.multi_reduction <add>, %mul3A_989, %reduce_sum3A_990 [1] : vector<256x256xf32> to vector<256xf32>
    %broadcast_in_dim3A_992 = vector.shape_cast %reduce_sum3A_991 : vector<256xf32> to vector<256x1xf32>
    %mul3A_993 = vector.broadcast %broadcast_in_dim3A_992 : vector<256x1xf32> to vector<256x256xf32>
    %mul3A_994 = arith.mulf %mul3A_970, %mul3A_993 : vector<256x256xf32>
    %reduce_max3A_995 = arith.constant dense<0xFF800000> : vector<256xf32>
    %reduce_max3A_996 = vector.multi_reduction <maximumf>, %mul3A_994, %reduce_max3A_995 [0] : vector<256x256xf32> to vector<256xf32>
    %broadcast_in_dim3A_997 = vector.shape_cast %reduce_max3A_996 : vector<256xf32> to vector<1x256xf32>
    %sub3A_998 = arith.constant 1.000000e+00 : f32
    %sub3A_999 = vector.broadcast %sub3A_998 : f32 to vector<1x256xf32>
    %sub3A_1000 = arith.subf %sub3A_999, %broadcast_in_dim3A_997 : vector<1x256xf32>
    %mul3A_1001 = arith.mulf %get3A_973, %sub3A_1000 : vector<1x256xf32>
    %while3A_1002:2 = scf.while (%while3A_1370 = %mul3A_987, %while3A_1371 = %mul3A_1001) : (vector<1x256xf32>, vector<1x256xf32>) -> (vector<1x256xf32>, vector<1x256xf32>) {
      %sub3A_1372 = arith.subf %while3A_1371, %while3A_1370 : vector<1x256xf32>
      %reduce_sum3A_1373 = vector.shape_cast %sub3A_1372 : vector<1x256xf32> to vector<1x1x256xf32>
      %reduce_sum3A_1374 = arith.constant dense<0.000000e+00> : vector<1xf32>
      %reduce_sum3A_1375 = vector.multi_reduction <add>, %reduce_sum3A_1373, %reduce_sum3A_1374 [1, 2] : vector<1x1x256xf32> to vector<1xf32>
      %reduce_sum3A_1376 = vector.shape_cast %reduce_sum3A_1375 : vector<1xf32> to vector<1x1x1xf32>
      %reduce_sum3A_1377 = vector.extract %reduce_sum3A_1376[0, 0, 0] : f32 from vector<1x1x1xf32>
      %gt3A_1378 = arith.constant 0.000000e+00 : f32
      %gt3A_1379 = arith.cmpf ogt, %reduce_sum3A_1377, %gt3A_1378 : f32
      scf.condition(%gt3A_1379) %while3A_1370, %while3A_1371 : vector<1x256xf32>, vector<1x256xf32>
    } do {
    ^bb0(%while3A_1370: vector<1x256xf32>, %while3A_1371: vector<1x256xf32>):
      %mul3A_1372 = vector.broadcast %while3A_1371 : vector<1x256xf32> to vector<256x256xf32>
      %mul3A_1373 = arith.mulf %mul3A_1372, %select_n3A_37 : vector<256x256xf32>
      %reduce_sum3A_1374 = arith.constant dense<0.000000e+00> : vector<256xf32>
      %reduce_sum3A_1375 = vector.multi_reduction <add>, %mul3A_1373, %reduce_sum3A_1374 [1] : vector<256x256xf32> to vector<256xf32>
      %broadcast_in_dim3A_1376 = vector.shape_cast %reduce_sum3A_1375 : vector<256xf32> to vector<256x1xf32>
      %mul3A_1377 = vector.broadcast %broadcast_in_dim3A_1376 : vector<256x1xf32> to vector<256x256xf32>
      %mul3A_1378 = arith.mulf %mul3A_970, %mul3A_1377 : vector<256x256xf32>
      %reduce_max3A_1379 = arith.constant dense<0xFF800000> : vector<256xf32>
      %reduce_max3A_1380 = vector.multi_reduction <maximumf>, %mul3A_1378, %reduce_max3A_1379 [0] : vector<256x256xf32> to vector<256xf32>
      %broadcast_in_dim3A_1381 = vector.shape_cast %reduce_max3A_1380 : vector<256xf32> to vector<1x256xf32>
      %sub3A_1382 = arith.constant 1.000000e+00 : f32
      %sub3A_1383 = vector.broadcast %sub3A_1382 : f32 to vector<1x256xf32>
      %sub3A_1384 = arith.subf %sub3A_1383, %broadcast_in_dim3A_1381 : vector<1x256xf32>
      %mul3A_1385 = arith.mulf %get3A_973, %sub3A_1384 : vector<1x256xf32>
      %mul3A_1386 = vector.broadcast %mul3A_1385 : vector<1x256xf32> to vector<256x256xf32>
      %mul3A_1387 = arith.mulf %mul3A_1386, %select_n3A_37 : vector<256x256xf32>
      %reduce_sum3A_1388 = arith.constant dense<0.000000e+00> : vector<256xf32>
      %reduce_sum3A_1389 = vector.multi_reduction <add>, %mul3A_1387, %reduce_sum3A_1388 [1] : vector<256x256xf32> to vector<256xf32>
      %broadcast_in_dim3A_1390 = vector.shape_cast %reduce_sum3A_1389 : vector<256xf32> to vector<256x1xf32>
      %mul3A_1391 = vector.broadcast %broadcast_in_dim3A_1390 : vector<256x1xf32> to vector<256x256xf32>
      %mul3A_1392 = arith.mulf %mul3A_970, %mul3A_1391 : vector<256x256xf32>
      %reduce_max3A_1393 = arith.constant dense<0xFF800000> : vector<256xf32>
      %reduce_max3A_1394 = vector.multi_reduction <maximumf>, %mul3A_1392, %reduce_max3A_1393 [0] : vector<256x256xf32> to vector<256xf32>
      %broadcast_in_dim3A_1395 = vector.shape_cast %reduce_max3A_1394 : vector<256xf32> to vector<1x256xf32>
      %sub3A_1396 = arith.constant 1.000000e+00 : f32
      %sub3A_1397 = vector.broadcast %sub3A_1396 : f32 to vector<1x256xf32>
      %sub3A_1398 = arith.subf %sub3A_1397, %broadcast_in_dim3A_1395 : vector<1x256xf32>
      %mul3A_1399 = arith.mulf %get3A_973, %sub3A_1398 : vector<1x256xf32>
      scf.yield %mul3A_1385, %mul3A_1399 : vector<1x256xf32>, vector<1x256xf32>
    }
    %swap3A_1003 = arith.constant 0 : index
    %swap3A_1004 = arith.constant 1536 : index
    %swap3A_1005 = vector.load %arg5[%swap3A_1003, %swap3A_1004] : memref<1x2048xf32, #tpu.memory_space<vmem>>, vector<1x256xf32>
    tpu.vector_store %arg5[%swap3A_1003, %swap3A_1004], %while3A_1002#0 {strides = array<i32>} : memref<1x2048xf32, #tpu.memory_space<vmem>>, vector<1x256xf32>,
    %mul3A_1006 = vector.broadcast %while3A_1002#0 : vector<1x256xf32> to vector<256x256xf32>
    %mul3A_1007 = arith.mulf %mul3A_1006, %select_n3A_37 : vector<256x256xf32>
    %reduce_sum3A_1008 = arith.constant dense<0.000000e+00> : vector<256xf32>
    %reduce_sum3A_1009 = vector.multi_reduction <add>, %mul3A_1007, %reduce_sum3A_1008 [1] : vector<256x256xf32> to vector<256xf32>
    %broadcast_in_dim3A_1010 = vector.shape_cast %reduce_sum3A_1009 : vector<256xf32> to vector<256x1xf32>
    %swap3A_1011 = arith.constant 1536 : index
    %swap3A_1012 = arith.constant 0 : index
    %swap3A_1013 = vector.load %arg6[%swap3A_1011, %swap3A_1012] : memref<2048x1xf32, #tpu.memory_space<vmem>>, vector<256x1xf32>
    tpu.vector_store %arg6[%swap3A_1011, %swap3A_1012], %broadcast_in_dim3A_1010 {strides = array<i32>} : memref<2048x1xf32, #tpu.memory_space<vmem>>, vector<256x1xf32>,
    %mul3A_1014 = vector.broadcast %while3A_1002#0 : vector<1x256xf32> to vector<256x256xf32>
    %mul3A_1015 = arith.mulf %select_n3A_43, %mul3A_1014 : vector<256x256xf32>
    %reduce_sum3A_1016 = arith.constant dense<0.000000e+00> : vector<256xf32>
    %reduce_sum3A_1017 = vector.multi_reduction <add>, %mul3A_1015, %reduce_sum3A_1016 [1] : vector<256x256xf32> to vector<256xf32>
    %broadcast_in_dim3A_1018 = vector.shape_cast %reduce_sum3A_1017 : vector<256xf32> to vector<256x1xf32>
    %add3A_1019 = vector.broadcast %add3A_884 : vector<1x1xf32> to vector<256x1xf32>
    %add3A_1020 = arith.addf %broadcast_in_dim3A_1018, %add3A_1019 : vector<256x1xf32>
    %swap3A_1021 = arith.constant 1536 : index
    %swap3A_1022 = arith.constant 0 : index
    %swap3A_1023 = vector.load %arg7[%swap3A_1021, %swap3A_1022] : memref<2048x1xf32, #tpu.memory_space<vmem>>, vector<256x1xf32>
    tpu.vector_store %arg7[%swap3A_1021, %swap3A_1022], %add3A_1020 {strides = array<i32>} : memref<2048x1xf32, #tpu.memory_space<vmem>>, vector<256x1xf32>,
    %reduce_sum3A_1024 = vector.shape_cast %while3A_1002#0 : vector<1x256xf32> to vector<1x1x256xf32>
    %reduce_sum3A_1025 = arith.constant dense<0.000000e+00> : vector<1xf32>
    %reduce_sum3A_1026 = vector.multi_reduction <add>, %reduce_sum3A_1024, %reduce_sum3A_1025 [1, 2] : vector<1x1x256xf32> to vector<1xf32>
    %reduce_sum3A_1027 = vector.shape_cast %reduce_sum3A_1026 : vector<1xf32> to vector<1x1x1xf32>
    %reduce_sum3A_1028 = vector.extract %reduce_sum3A_1027[0, 0, 0] : f32 from vector<1x1x1xf32>
    %broadcast_in_dim3A_1029 = vector.broadcast %reduce_sum3A_1028 : f32 to vector<1x1xf32>
    %add3A_1030 = arith.addf %add3A_884, %broadcast_in_dim3A_1029 : vector<1x1xf32>
    %get3A_1031 = arith.constant 0 : index
    %get3A_1032 = arith.constant 0 : index
    %get3A_1033 = vector.load %arg8[%get3A_1031, %get3A_1032] : memref<256x2048xf32, #tpu.memory_space<vmem>>, vector<256x2048xf32>
    %mul3A_1034 = vector.broadcast %broadcast_in_dim3A_1010 : vector<256x1xf32> to vector<256x2048xf32>
    %mul3A_1035 = arith.mulf %get3A_1033, %mul3A_1034 : vector<256x2048xf32>
    %reduce_max3A_1036 = arith.constant dense<0xFF800000> : vector<2048xf32>
    %reduce_max3A_1037 = vector.multi_reduction <maximumf>, %mul3A_1035, %reduce_max3A_1036 [0] : vector<256x2048xf32> to vector<2048xf32>
    %broadcast_in_dim3A_1038 = vector.shape_cast %reduce_max3A_1037 : vector<2048xf32> to vector<1x2048xf32>
    %ge3A_1039 = arith.constant 1792 : i32
    %ge3A_1040 = vector.broadcast %ge3A_1039 : i32 to vector<1x2048xi32>
    %ge3A_1041 = arith.cmpi sge, %iota3A, %ge3A_1040 : vector<1x2048xi32>
    %jit3A_1042 = arith.constant 1.000000e+00 : f32
    %jit3A_1043 = arith.constant 0.000000e+00 : f32
    %broadcast_in_dim3A_1044 = vector.broadcast %jit3A_1042 : f32 to vector<1x2048xf32>
    %broadcast_in_dim3A_1045 = vector.broadcast %jit3A_1043 : f32 to vector<1x2048xf32>
    %select_n3A_1046 = arith.select %ge3A_1041, %broadcast_in_dim3A_1044, %broadcast_in_dim3A_1045 : vector<1x2048xi1>, vector<1x2048xf32>
    %get3A_1047 = arith.constant 0 : index
    %get3A_1048 = arith.constant 0 : index
    %get3A_1049 = vector.load %arg5[%get3A_1047, %get3A_1048] : memref<1x2048xf32, #tpu.memory_space<vmem>>, vector<1x2048xf32>
    %mul3A_1050 = arith.mulf %broadcast_in_dim3A_1038, %select_n3A_1046 : vector<1x2048xf32>
    %sub3A_1051 = arith.constant 1.000000e+00 : f32
    %sub3A_1052 = vector.broadcast %sub3A_1051 : f32 to vector<1x2048xf32>
    %sub3A_1053 = arith.subf %sub3A_1052, %mul3A_1050 : vector<1x2048xf32>
    %mul3A_1054 = arith.mulf %get3A_1049, %sub3A_1053 : vector<1x2048xf32>
    %swap3A_1055 = arith.constant 0 : index
    %swap3A_1056 = arith.constant 0 : index
    %swap3A_1057 = vector.load %arg5[%swap3A_1055, %swap3A_1056] : memref<1x2048xf32, #tpu.memory_space<vmem>>, vector<1x2048xf32>
    tpu.vector_store %arg5[%swap3A_1055, %swap3A_1056], %mul3A_1054 {strides = array<i32>} : memref<1x2048xf32, #tpu.memory_space<vmem>>, vector<1x2048xf32>,
    %get3A_1058 = arith.constant 1792 : index
    %get3A_1059 = arith.constant 0 : index
    %get3A_1060 = vector.load %arg0[%get3A_1058, %get3A_1059] : memref<2048x8xf32, #tpu.memory_space<vmem>>, vector<256x1xf32>
    %get3A_1061 = arith.constant 1792 : index
    %get3A_1062 = arith.constant 1 : index
    %get3A_1063 = vector.load %arg0[%get3A_1061, %get3A_1062] : memref<2048x8xf32, #tpu.memory_space<vmem>>, vector<256x1xf32>
    %get3A_1064 = arith.constant 1792 : index
    %get3A_1065 = arith.constant 2 : index
    %get3A_1066 = vector.load %arg0[%get3A_1064, %get3A_1065] : memref<2048x8xf32, #tpu.memory_space<vmem>>, vector<256x1xf32>
    %get3A_1067 = arith.constant 1792 : index
    %get3A_1068 = arith.constant 3 : index
    %get3A_1069 = vector.load %arg0[%get3A_1067, %get3A_1068] : memref<2048x8xf32, #tpu.memory_space<vmem>>, vector<256x1xf32>
    %get3A_1070 = arith.constant 1792 : index
    %get3A_1071 = arith.constant 5 : index
    %get3A_1072 = vector.load %arg0[%get3A_1070, %get3A_1071] : memref<2048x8xf32, #tpu.memory_space<vmem>>, vector<256x1xf32>
    %min3A_1073 = vector.broadcast %get3A_1066 : vector<256x1xf32> to vector<256x2048xf32>
    %min3A_1074 = vector.broadcast %get3A_7 : vector<1x2048xf32> to vector<256x2048xf32>
    %min3A_1075 = arith.minimumf %min3A_1073, %min3A_1074 : vector<256x2048xf32>
    %max3A_1076 = vector.broadcast %get3A_1060 : vector<256x1xf32> to vector<256x2048xf32>
    %max3A_1077 = vector.broadcast %get3A_1 : vector<1x2048xf32> to vector<256x2048xf32>
    %max3A_1078 = arith.maximumf %max3A_1076, %max3A_1077 : vector<256x2048xf32>
    %sub3A_1079 = arith.subf %min3A_1075, %max3A_1078 : vector<256x2048xf32>
    %max3A_1080 = arith.constant 0.000000e+00 : f32
    %max3A_1081 = vector.broadcast %max3A_1080 : f32 to vector<256x2048xf32>
    %max3A_1082 = arith.maximumf %sub3A_1079, %max3A_1081 : vector<256x2048xf32>
    %min3A_1083 = vector.broadcast %get3A_1069 : vector<256x1xf32> to vector<256x2048xf32>
    %min3A_1084 = vector.broadcast %get3A_10 : vector<1x2048xf32> to vector<256x2048xf32>
    %min3A_1085 = arith.minimumf %min3A_1083, %min3A_1084 : vector<256x2048xf32>
    %max3A_1086 = vector.broadcast %get3A_1063 : vector<256x1xf32> to vector<256x2048xf32>
    %max3A_1087 = vector.broadcast %get3A_4 : vector<1x2048xf32> to vector<256x2048xf32>
    %max3A_1088 = arith.maximumf %max3A_1086, %max3A_1087 : vector<256x2048xf32>
    %sub3A_1089 = arith.subf %min3A_1085, %max3A_1088 : vector<256x2048xf32>
    %max3A_1090 = arith.constant 0.000000e+00 : f32
    %max3A_1091 = vector.broadcast %max3A_1090 : f32 to vector<256x2048xf32>
    %max3A_1092 = arith.maximumf %sub3A_1089, %max3A_1091 : vector<256x2048xf32>
    %mul3A_1093 = arith.mulf %max3A_1082, %max3A_1092 : vector<256x2048xf32>
    %add3A_1094 = vector.broadcast %get3A_1072 : vector<256x1xf32> to vector<256x2048xf32>
    %add3A_1095 = vector.broadcast %get3A_16 : vector<1x2048xf32> to vector<256x2048xf32>
    %add3A_1096 = arith.addf %add3A_1094, %add3A_1095 : vector<256x2048xf32>
    %sub3A_1097 = arith.subf %add3A_1096, %mul3A_1093 : vector<256x2048xf32>
    %max3A_1098 = arith.constant 9.99999971E-10 : f32
    %max3A_1099 = vector.broadcast %max3A_1098 : f32 to vector<256x2048xf32>
    %max3A_1100 = arith.maximumf %sub3A_1097, %max3A_1099 : vector<256x2048xf32>
    %div3A_1101 = arith.divf %mul3A_1093, %max3A_1100 : vector<256x2048xf32>
    %gt3A_1102 = arith.constant 4.500000e-01 : f32
    %gt3A_1103 = vector.broadcast %gt3A_1102 : f32 to vector<256x2048xf32>
    %gt3A_1104 = arith.cmpf ogt, %div3A_1101, %gt3A_1103 : vector<256x2048xf32>
    %jit3A_1105 = arith.constant 1.000000e+00 : f32
    %jit3A_1106 = arith.constant 0.000000e+00 : f32
    %broadcast_in_dim3A_1107 = vector.broadcast %jit3A_1105 : f32 to vector<256x2048xf32>
    %broadcast_in_dim3A_1108 = vector.broadcast %jit3A_1106 : f32 to vector<256x2048xf32>
    %select_n3A_1109 = arith.select %gt3A_1104, %broadcast_in_dim3A_1107, %broadcast_in_dim3A_1108 : vector<256x2048xi1>, vector<256x2048xf32>
    %swap3A_1110 = arith.constant 0 : index
    %swap3A_1111 = arith.constant 0 : index
    %swap3A_1112 = vector.load %arg8[%swap3A_1110, %swap3A_1111] : memref<256x2048xf32, #tpu.memory_space<vmem>>, vector<256x2048xf32>
    tpu.vector_store %arg8[%swap3A_1110, %swap3A_1111], %select_n3A_1109 {strides = array<i32>} : memref<256x2048xf32, #tpu.memory_space<vmem>>, vector<256x2048xf32>,
    %get3A_1113 = arith.constant 0 : index
    %get3A_1114 = arith.constant 1792 : index
    %get3A_1115 = vector.load %arg8[%get3A_1113, %get3A_1114] : memref<256x2048xf32, #tpu.memory_space<vmem>>, vector<256x256xf32>
    %mul3A_1116 = arith.mulf %get3A_1115, %select_n3A_32 : vector<256x256xf32>
    %get3A_1117 = arith.constant 0 : index
    %get3A_1118 = arith.constant 1792 : index
    %get3A_1119 = vector.load %arg5[%get3A_1117, %get3A_1118] : memref<1x2048xf32, #tpu.memory_space<vmem>>, vector<1x256xf32>
    %mul3A_1120 = vector.broadcast %get3A_1119 : vector<1x256xf32> to vector<256x256xf32>
    %mul3A_1121 = arith.mulf %mul3A_1120, %select_n3A_37 : vector<256x256xf32>
    %reduce_sum3A_1122 = arith.constant dense<0.000000e+00> : vector<256xf32>
    %reduce_sum3A_1123 = vector.multi_reduction <add>, %mul3A_1121, %reduce_sum3A_1122 [1] : vector<256x256xf32> to vector<256xf32>
    %broadcast_in_dim3A_1124 = vector.shape_cast %reduce_sum3A_1123 : vector<256xf32> to vector<256x1xf32>
    %mul3A_1125 = vector.broadcast %broadcast_in_dim3A_1124 : vector<256x1xf32> to vector<256x256xf32>
    %mul3A_1126 = arith.mulf %mul3A_1116, %mul3A_1125 : vector<256x256xf32>
    %reduce_max3A_1127 = arith.constant dense<0xFF800000> : vector<256xf32>
    %reduce_max3A_1128 = vector.multi_reduction <maximumf>, %mul3A_1126, %reduce_max3A_1127 [0] : vector<256x256xf32> to vector<256xf32>
    %broadcast_in_dim3A_1129 = vector.shape_cast %reduce_max3A_1128 : vector<256xf32> to vector<1x256xf32>
    %sub3A_1130 = arith.constant 1.000000e+00 : f32
    %sub3A_1131 = vector.broadcast %sub3A_1130 : f32 to vector<1x256xf32>
    %sub3A_1132 = arith.subf %sub3A_1131, %broadcast_in_dim3A_1129 : vector<1x256xf32>
    %mul3A_1133 = arith.mulf %get3A_1119, %sub3A_1132 : vector<1x256xf32>
    %mul3A_1134 = vector.broadcast %mul3A_1133 : vector<1x256xf32> to vector<256x256xf32>
    %mul3A_1135 = arith.mulf %mul3A_1134, %select_n3A_37 : vector<256x256xf32>
    %reduce_sum3A_1136 = arith.constant dense<0.000000e+00> : vector<256xf32>
    %reduce_sum3A_1137 = vector.multi_reduction <add>, %mul3A_1135, %reduce_sum3A_1136 [1] : vector<256x256xf32> to vector<256xf32>
    %broadcast_in_dim3A_1138 = vector.shape_cast %reduce_sum3A_1137 : vector<256xf32> to vector<256x1xf32>
    %mul3A_1139 = vector.broadcast %broadcast_in_dim3A_1138 : vector<256x1xf32> to vector<256x256xf32>
    %mul3A_1140 = arith.mulf %mul3A_1116, %mul3A_1139 : vector<256x256xf32>
    %reduce_max3A_1141 = arith.constant dense<0xFF800000> : vector<256xf32>
    %reduce_max3A_1142 = vector.multi_reduction <maximumf>, %mul3A_1140, %reduce_max3A_1141 [0] : vector<256x256xf32> to vector<256xf32>
    %broadcast_in_dim3A_1143 = vector.shape_cast %reduce_max3A_1142 : vector<256xf32> to vector<1x256xf32>
    %sub3A_1144 = arith.constant 1.000000e+00 : f32
    %sub3A_1145 = vector.broadcast %sub3A_1144 : f32 to vector<1x256xf32>
    %sub3A_1146 = arith.subf %sub3A_1145, %broadcast_in_dim3A_1143 : vector<1x256xf32>
    %mul3A_1147 = arith.mulf %get3A_1119, %sub3A_1146 : vector<1x256xf32>
    %while3A_1148:2 = scf.while (%while3A_1370 = %mul3A_1133, %while3A_1371 = %mul3A_1147) : (vector<1x256xf32>, vector<1x256xf32>) -> (vector<1x256xf32>, vector<1x256xf32>) {
      %sub3A_1372 = arith.subf %while3A_1371, %while3A_1370 : vector<1x256xf32>
      %reduce_sum3A_1373 = vector.shape_cast %sub3A_1372 : vector<1x256xf32> to vector<1x1x256xf32>
      %reduce_sum3A_1374 = arith.constant dense<0.000000e+00> : vector<1xf32>
      %reduce_sum3A_1375 = vector.multi_reduction <add>, %reduce_sum3A_1373, %reduce_sum3A_1374 [1, 2] : vector<1x1x256xf32> to vector<1xf32>
      %reduce_sum3A_1376 = vector.shape_cast %reduce_sum3A_1375 : vector<1xf32> to vector<1x1x1xf32>
      %reduce_sum3A_1377 = vector.extract %reduce_sum3A_1376[0, 0, 0] : f32 from vector<1x1x1xf32>
      %gt3A_1378 = arith.constant 0.000000e+00 : f32
      %gt3A_1379 = arith.cmpf ogt, %reduce_sum3A_1377, %gt3A_1378 : f32
      scf.condition(%gt3A_1379) %while3A_1370, %while3A_1371 : vector<1x256xf32>, vector<1x256xf32>
    } do {
    ^bb0(%while3A_1370: vector<1x256xf32>, %while3A_1371: vector<1x256xf32>):
      %mul3A_1372 = vector.broadcast %while3A_1371 : vector<1x256xf32> to vector<256x256xf32>
      %mul3A_1373 = arith.mulf %mul3A_1372, %select_n3A_37 : vector<256x256xf32>
      %reduce_sum3A_1374 = arith.constant dense<0.000000e+00> : vector<256xf32>
      %reduce_sum3A_1375 = vector.multi_reduction <add>, %mul3A_1373, %reduce_sum3A_1374 [1] : vector<256x256xf32> to vector<256xf32>
      %broadcast_in_dim3A_1376 = vector.shape_cast %reduce_sum3A_1375 : vector<256xf32> to vector<256x1xf32>
      %mul3A_1377 = vector.broadcast %broadcast_in_dim3A_1376 : vector<256x1xf32> to vector<256x256xf32>
      %mul3A_1378 = arith.mulf %mul3A_1116, %mul3A_1377 : vector<256x256xf32>
      %reduce_max3A_1379 = arith.constant dense<0xFF800000> : vector<256xf32>
      %reduce_max3A_1380 = vector.multi_reduction <maximumf>, %mul3A_1378, %reduce_max3A_1379 [0] : vector<256x256xf32> to vector<256xf32>
      %broadcast_in_dim3A_1381 = vector.shape_cast %reduce_max3A_1380 : vector<256xf32> to vector<1x256xf32>
      %sub3A_1382 = arith.constant 1.000000e+00 : f32
      %sub3A_1383 = vector.broadcast %sub3A_1382 : f32 to vector<1x256xf32>
      %sub3A_1384 = arith.subf %sub3A_1383, %broadcast_in_dim3A_1381 : vector<1x256xf32>
      %mul3A_1385 = arith.mulf %get3A_1119, %sub3A_1384 : vector<1x256xf32>
      %mul3A_1386 = vector.broadcast %mul3A_1385 : vector<1x256xf32> to vector<256x256xf32>
      %mul3A_1387 = arith.mulf %mul3A_1386, %select_n3A_37 : vector<256x256xf32>
      %reduce_sum3A_1388 = arith.constant dense<0.000000e+00> : vector<256xf32>
      %reduce_sum3A_1389 = vector.multi_reduction <add>, %mul3A_1387, %reduce_sum3A_1388 [1] : vector<256x256xf32> to vector<256xf32>
      %broadcast_in_dim3A_1390 = vector.shape_cast %reduce_sum3A_1389 : vector<256xf32> to vector<256x1xf32>
      %mul3A_1391 = vector.broadcast %broadcast_in_dim3A_1390 : vector<256x1xf32> to vector<256x256xf32>
      %mul3A_1392 = arith.mulf %mul3A_1116, %mul3A_1391 : vector<256x256xf32>
      %reduce_max3A_1393 = arith.constant dense<0xFF800000> : vector<256xf32>
      %reduce_max3A_1394 = vector.multi_reduction <maximumf>, %mul3A_1392, %reduce_max3A_1393 [0] : vector<256x256xf32> to vector<256xf32>
      %broadcast_in_dim3A_1395 = vector.shape_cast %reduce_max3A_1394 : vector<256xf32> to vector<1x256xf32>
      %sub3A_1396 = arith.constant 1.000000e+00 : f32
      %sub3A_1397 = vector.broadcast %sub3A_1396 : f32 to vector<1x256xf32>
      %sub3A_1398 = arith.subf %sub3A_1397, %broadcast_in_dim3A_1395 : vector<1x256xf32>
      %mul3A_1399 = arith.mulf %get3A_1119, %sub3A_1398 : vector<1x256xf32>
      scf.yield %mul3A_1385, %mul3A_1399 : vector<1x256xf32>, vector<1x256xf32>
    }
    %swap3A_1149 = arith.constant 0 : index
    %swap3A_1150 = arith.constant 1792 : index
    %swap3A_1151 = vector.load %arg5[%swap3A_1149, %swap3A_1150] : memref<1x2048xf32, #tpu.memory_space<vmem>>, vector<1x256xf32>
    tpu.vector_store %arg5[%swap3A_1149, %swap3A_1150], %while3A_1148#0 {strides = array<i32>} : memref<1x2048xf32, #tpu.memory_space<vmem>>, vector<1x256xf32>,
    %mul3A_1152 = vector.broadcast %while3A_1148#0 : vector<1x256xf32> to vector<256x256xf32>
    %mul3A_1153 = arith.mulf %mul3A_1152, %select_n3A_37 : vector<256x256xf32>
    %reduce_sum3A_1154 = arith.constant dense<0.000000e+00> : vector<256xf32>
    %reduce_sum3A_1155 = vector.multi_reduction <add>, %mul3A_1153, %reduce_sum3A_1154 [1] : vector<256x256xf32> to vector<256xf32>
    %broadcast_in_dim3A_1156 = vector.shape_cast %reduce_sum3A_1155 : vector<256xf32> to vector<256x1xf32>
    %swap3A_1157 = arith.constant 1792 : index
    %swap3A_1158 = arith.constant 0 : index
    %swap3A_1159 = vector.load %arg6[%swap3A_1157, %swap3A_1158] : memref<2048x1xf32, #tpu.memory_space<vmem>>, vector<256x1xf32>
    tpu.vector_store %arg6[%swap3A_1157, %swap3A_1158], %broadcast_in_dim3A_1156 {strides = array<i32>} : memref<2048x1xf32, #tpu.memory_space<vmem>>, vector<256x1xf32>,
    %mul3A_1160 = vector.broadcast %while3A_1148#0 : vector<1x256xf32> to vector<256x256xf32>
    %mul3A_1161 = arith.mulf %select_n3A_43, %mul3A_1160 : vector<256x256xf32>
    %reduce_sum3A_1162 = arith.constant dense<0.000000e+00> : vector<256xf32>
    %reduce_sum3A_1163 = vector.multi_reduction <add>, %mul3A_1161, %reduce_sum3A_1162 [1] : vector<256x256xf32> to vector<256xf32>
    %broadcast_in_dim3A_1164 = vector.shape_cast %reduce_sum3A_1163 : vector<256xf32> to vector<256x1xf32>
    %add3A_1165 = vector.broadcast %add3A_1030 : vector<1x1xf32> to vector<256x1xf32>
    %add3A_1166 = arith.addf %broadcast_in_dim3A_1164, %add3A_1165 : vector<256x1xf32>
    %swap3A_1167 = arith.constant 1792 : index
    %swap3A_1168 = arith.constant 0 : index
    %swap3A_1169 = vector.load %arg7[%swap3A_1167, %swap3A_1168] : memref<2048x1xf32, #tpu.memory_space<vmem>>, vector<256x1xf32>
    tpu.vector_store %arg7[%swap3A_1167, %swap3A_1168], %add3A_1166 {strides = array<i32>} : memref<2048x1xf32, #tpu.memory_space<vmem>>, vector<256x1xf32>,
    %reduce_sum3A_1170 = vector.shape_cast %while3A_1148#0 : vector<1x256xf32> to vector<1x1x256xf32>
    %reduce_sum3A_1171 = arith.constant dense<0.000000e+00> : vector<1xf32>
    %reduce_sum3A_1172 = vector.multi_reduction <add>, %reduce_sum3A_1170, %reduce_sum3A_1171 [1, 2] : vector<1x1x256xf32> to vector<1xf32>
    %reduce_sum3A_1173 = vector.shape_cast %reduce_sum3A_1172 : vector<1xf32> to vector<1x1x1xf32>
    %reduce_sum3A_1174 = vector.extract %reduce_sum3A_1173[0, 0, 0] : f32 from vector<1x1x1xf32>
    %broadcast_in_dim3A_1175 = vector.broadcast %reduce_sum3A_1174 : f32 to vector<1x1xf32>
    %add3A_1176 = arith.addf %add3A_1030, %broadcast_in_dim3A_1175 : vector<1x1xf32>
    %get3A_1177 = arith.constant 0 : index
    %get3A_1178 = arith.constant 0 : index
    %get3A_1179 = vector.load %arg8[%get3A_1177, %get3A_1178] : memref<256x2048xf32, #tpu.memory_space<vmem>>, vector<256x2048xf32>
    %mul3A_1180 = vector.broadcast %broadcast_in_dim3A_1156 : vector<256x1xf32> to vector<256x2048xf32>
    %mul3A_1181 = arith.mulf %get3A_1179, %mul3A_1180 : vector<256x2048xf32>
    %reduce_max3A_1182 = arith.constant dense<0xFF800000> : vector<2048xf32>
    %reduce_max3A_1183 = vector.multi_reduction <maximumf>, %mul3A_1181, %reduce_max3A_1182 [0] : vector<256x2048xf32> to vector<2048xf32>
    %broadcast_in_dim3A_1184 = vector.shape_cast %reduce_max3A_1183 : vector<2048xf32> to vector<1x2048xf32>
    %ge3A_1185 = arith.constant 2048 : i32
    %ge3A_1186 = vector.broadcast %ge3A_1185 : i32 to vector<1x2048xi32>
    %ge3A_1187 = arith.cmpi sge, %iota3A, %ge3A_1186 : vector<1x2048xi32>
    %jit3A_1188 = arith.constant 1.000000e+00 : f32
    %jit3A_1189 = arith.constant 0.000000e+00 : f32
    %broadcast_in_dim3A_1190 = vector.broadcast %jit3A_1188 : f32 to vector<1x2048xf32>
    %broadcast_in_dim3A_1191 = vector.broadcast %jit3A_1189 : f32 to vector<1x2048xf32>
    %select_n3A_1192 = arith.select %ge3A_1187, %broadcast_in_dim3A_1190, %broadcast_in_dim3A_1191 : vector<1x2048xi1>, vector<1x2048xf32>
    %get3A_1193 = arith.constant 0 : index
    %get3A_1194 = arith.constant 0 : index
    %get3A_1195 = vector.load %arg5[%get3A_1193, %get3A_1194] : memref<1x2048xf32, #tpu.memory_space<vmem>>, vector<1x2048xf32>
    %mul3A_1196 = arith.mulf %broadcast_in_dim3A_1184, %select_n3A_1192 : vector<1x2048xf32>
    %sub3A_1197 = arith.constant 1.000000e+00 : f32
    %sub3A_1198 = vector.broadcast %sub3A_1197 : f32 to vector<1x2048xf32>
    %sub3A_1199 = arith.subf %sub3A_1198, %mul3A_1196 : vector<1x2048xf32>
    %mul3A_1200 = arith.mulf %get3A_1195, %sub3A_1199 : vector<1x2048xf32>
    %swap3A_1201 = arith.constant 0 : index
    %swap3A_1202 = arith.constant 0 : index
    %swap3A_1203 = vector.load %arg5[%swap3A_1201, %swap3A_1202] : memref<1x2048xf32, #tpu.memory_space<vmem>>, vector<1x2048xf32>
    tpu.vector_store %arg5[%swap3A_1201, %swap3A_1202], %mul3A_1200 {strides = array<i32>} : memref<1x2048xf32, #tpu.memory_space<vmem>>, vector<1x2048xf32>,
    %iota3A_1204 = tpu.iota {dimensions = array<i32: 1>} : vector<1x512xi32>
    %convert_element_type3A = arith.sitofp %iota3A_1204 : vector<1x512xi32> to vector<1x512xf32>
    %get3A_1205 = arith.constant 0 : index
    %get3A_1206 = arith.constant 0 : index
    %get3A_1207 = vector.load %arg7[%get3A_1205, %get3A_1206] : memref<2048x1xf32, #tpu.memory_space<vmem>>, vector<2048x1xf32>
    %get3A_1208 = arith.constant 0 : index
    %get3A_1209 = arith.constant 0 : index
    %get3A_1210 = vector.load %arg6[%get3A_1208, %get3A_1209] : memref<2048x1xf32, #tpu.memory_space<vmem>>, vector<2048x1xf32>
    %eq3A_1211 = vector.broadcast %get3A_1207 : vector<2048x1xf32> to vector<2048x512xf32>
    %eq3A_1212 = vector.broadcast %convert_element_type3A : vector<1x512xf32> to vector<2048x512xf32>
    %eq3A_1213 = arith.cmpf oeq, %eq3A_1211, %eq3A_1212 : vector<2048x512xf32>
    %gt3A_1214 = arith.constant 0.000000e+00 : f32
    %gt3A_1215 = vector.broadcast %gt3A_1214 : f32 to vector<2048x1xf32>
    %gt3A_1216 = arith.cmpf ogt, %get3A_1210, %gt3A_1215 : vector<2048x1xf32>
    %and3A_1217 = vector.broadcast %gt3A_1216 : vector<2048x1xi1> to vector<2048x512xi1>
    %and3A_1218 = arith.andi %eq3A_1213, %and3A_1217 : vector<2048x512xi1>
    %lt3A_1219 = arith.constant 300 : i32
    %lt3A_1220 = vector.broadcast %lt3A_1219 : i32 to vector<1x512xi32>
    %lt3A_1221 = arith.cmpi slt, %iota3A_1204, %lt3A_1220 : vector<1x512xi32>
    %and3A_1222 = vector.broadcast %lt3A_1221 : vector<1x512xi1> to vector<2048x512xi1>
    %and3A_1223 = arith.andi %and3A_1218, %and3A_1222 : vector<2048x512xi1>
    %jit3A_1224 = arith.constant 1.000000e+00 : f32
    %jit3A_1225 = arith.constant 0.000000e+00 : f32
    %broadcast_in_dim3A_1226 = vector.broadcast %jit3A_1224 : f32 to vector<2048x512xf32>
    %broadcast_in_dim3A_1227 = vector.broadcast %jit3A_1225 : f32 to vector<2048x512xf32>
    %select_n3A_1228 = arith.select %and3A_1223, %broadcast_in_dim3A_1226, %broadcast_in_dim3A_1227 : vector<2048x512xi1>, vector<2048x512xf32>
    %get3A_1229 = arith.constant 0 : index
    %get3A_1230 = arith.constant 0 : index
    %get3A_1231 = vector.load %arg0[%get3A_1229, %get3A_1230] : memref<2048x8xf32, #tpu.memory_space<vmem>>, vector<2048x1xf32>
    %mul3A_1232 = vector.broadcast %get3A_1231 : vector<2048x1xf32> to vector<2048x512xf32>
    %mul3A_1233 = arith.mulf %select_n3A_1228, %mul3A_1232 : vector<2048x512xf32>
    %reduce_sum3A_1234 = arith.constant dense<0.000000e+00> : vector<512xf32>
    %reduce_sum3A_1235 = vector.multi_reduction <add>, %mul3A_1233, %reduce_sum3A_1234 [0] : vector<2048x512xf32> to vector<512xf32>
    %broadcast_in_dim3A_1236 = vector.shape_cast %reduce_sum3A_1235 : vector<512xf32> to vector<1x512xf32>
    %get3A_1237 = arith.constant 0 : index
    %get3A_1238 = arith.constant 1 : index
    %get3A_1239 = vector.load %arg0[%get3A_1237, %get3A_1238] : memref<2048x8xf32, #tpu.memory_space<vmem>>, vector<2048x1xf32>
    %mul3A_1240 = vector.broadcast %get3A_1239 : vector<2048x1xf32> to vector<2048x512xf32>
    %mul3A_1241 = arith.mulf %select_n3A_1228, %mul3A_1240 : vector<2048x512xf32>
    %reduce_sum3A_1242 = arith.constant dense<0.000000e+00> : vector<512xf32>
    %reduce_sum3A_1243 = vector.multi_reduction <add>, %mul3A_1241, %reduce_sum3A_1242 [0] : vector<2048x512xf32> to vector<512xf32>
    %broadcast_in_dim3A_1244 = vector.shape_cast %reduce_sum3A_1243 : vector<512xf32> to vector<1x512xf32>
    %get3A_1245 = arith.constant 0 : index
    %get3A_1246 = arith.constant 2 : index
    %get3A_1247 = vector.load %arg0[%get3A_1245, %get3A_1246] : memref<2048x8xf32, #tpu.memory_space<vmem>>, vector<2048x1xf32>
    %mul3A_1248 = vector.broadcast %get3A_1247 : vector<2048x1xf32> to vector<2048x512xf32>
    %mul3A_1249 = arith.mulf %select_n3A_1228, %mul3A_1248 : vector<2048x512xf32>
    %reduce_sum3A_1250 = arith.constant dense<0.000000e+00> : vector<512xf32>
    %reduce_sum3A_1251 = vector.multi_reduction <add>, %mul3A_1249, %reduce_sum3A_1250 [0] : vector<2048x512xf32> to vector<512xf32>
    %broadcast_in_dim3A_1252 = vector.shape_cast %reduce_sum3A_1251 : vector<512xf32> to vector<1x512xf32>
    %get3A_1253 = arith.constant 0 : index
    %get3A_1254 = arith.constant 3 : index
    %get3A_1255 = vector.load %arg0[%get3A_1253, %get3A_1254] : memref<2048x8xf32, #tpu.memory_space<vmem>>, vector<2048x1xf32>
    %mul3A_1256 = vector.broadcast %get3A_1255 : vector<2048x1xf32> to vector<2048x512xf32>
    %mul3A_1257 = arith.mulf %select_n3A_1228, %mul3A_1256 : vector<2048x512xf32>
    %reduce_sum3A_1258 = arith.constant dense<0.000000e+00> : vector<512xf32>
    %reduce_sum3A_1259 = vector.multi_reduction <add>, %mul3A_1257, %reduce_sum3A_1258 [0] : vector<2048x512xf32> to vector<512xf32>
    %broadcast_in_dim3A_1260 = vector.shape_cast %reduce_sum3A_1259 : vector<512xf32> to vector<1x512xf32>
    %get3A_1261 = arith.constant 0 : index
    %get3A_1262 = arith.constant 4 : index
    %get3A_1263 = vector.load %arg0[%get3A_1261, %get3A_1262] : memref<2048x8xf32, #tpu.memory_space<vmem>>, vector<2048x1xf32>
    %mul3A_1264 = vector.broadcast %get3A_1263 : vector<2048x1xf32> to vector<2048x512xf32>
    %mul3A_1265 = arith.mulf %select_n3A_1228, %mul3A_1264 : vector<2048x512xf32>
    %reduce_sum3A_1266 = arith.constant dense<0.000000e+00> : vector<512xf32>
    %reduce_sum3A_1267 = vector.multi_reduction <add>, %mul3A_1265, %reduce_sum3A_1266 [0] : vector<2048x512xf32> to vector<512xf32>
    %broadcast_in_dim3A_1268 = vector.shape_cast %reduce_sum3A_1267 : vector<512xf32> to vector<1x512xf32>
    %min3A_1269 = arith.constant 3.000000e+02 : f32
    %min3A_1270 = vector.broadcast %min3A_1269 : f32 to vector<1x1xf32>
    %min3A_1271 = arith.minimumf %add3A_1176, %min3A_1270 : vector<1x1xf32>
    %lt3A_1272 = vector.broadcast %min3A_1271 : vector<1x1xf32> to vector<1x512xf32>
    %lt3A_1273 = arith.cmpf olt, %convert_element_type3A, %lt3A_1272 : vector<1x512xf32>
    %jit3A_1274 = arith.constant 1.000000e+00 : f32
    %jit3A_1275 = arith.constant 0.000000e+00 : f32
    %broadcast_in_dim3A_1276 = vector.broadcast %jit3A_1274 : f32 to vector<1x512xf32>
    %broadcast_in_dim3A_1277 = vector.broadcast %jit3A_1275 : f32 to vector<1x512xf32>
    %select_n3A_1278 = arith.select %lt3A_1273, %broadcast_in_dim3A_1276, %broadcast_in_dim3A_1277 : vector<1x512xi1>, vector<1x512xf32>
    %swap3A_1279 = arith.constant 0 : index
    %swap3A_1280 = arith.constant 0 : index
    %swap3A_1281 = vector.load %arg3[%swap3A_1279, %swap3A_1280] : memref<8x512xf32, #tpu.memory_space<vmem>>, vector<1x512xf32>
    tpu.vector_store %arg3[%swap3A_1279, %swap3A_1280], %broadcast_in_dim3A_1236 {strides = array<i32>} : memref<8x512xf32, #tpu.memory_space<vmem>>, vector<1x512xf32>,
    %swap3A_1282 = arith.constant 1 : index
    %swap3A_1283 = arith.constant 0 : index
    %swap3A_1284 = vector.load %arg3[%swap3A_1282, %swap3A_1283] : memref<8x512xf32, #tpu.memory_space<vmem>>, vector<1x512xf32>
    tpu.vector_store %arg3[%swap3A_1282, %swap3A_1283], %broadcast_in_dim3A_1244 {strides = array<i32>} : memref<8x512xf32, #tpu.memory_space<vmem>>, vector<1x512xf32>,
    %swap3A_1285 = arith.constant 2 : index
    %swap3A_1286 = arith.constant 0 : index
    %swap3A_1287 = vector.load %arg3[%swap3A_1285, %swap3A_1286] : memref<8x512xf32, #tpu.memory_space<vmem>>, vector<1x512xf32>
    tpu.vector_store %arg3[%swap3A_1285, %swap3A_1286], %broadcast_in_dim3A_1252 {strides = array<i32>} : memref<8x512xf32, #tpu.memory_space<vmem>>, vector<1x512xf32>,
    %swap3A_1288 = arith.constant 3 : index
    %swap3A_1289 = arith.constant 0 : index
    %swap3A_1290 = vector.load %arg3[%swap3A_1288, %swap3A_1289] : memref<8x512xf32, #tpu.memory_space<vmem>>, vector<1x512xf32>
    tpu.vector_store %arg3[%swap3A_1288, %swap3A_1289], %broadcast_in_dim3A_1260 {strides = array<i32>} : memref<8x512xf32, #tpu.memory_space<vmem>>, vector<1x512xf32>,
    %swap3A_1291 = arith.constant 4 : index
    %swap3A_1292 = arith.constant 0 : index
    %swap3A_1293 = vector.load %arg3[%swap3A_1291, %swap3A_1292] : memref<8x512xf32, #tpu.memory_space<vmem>>, vector<1x512xf32>
    tpu.vector_store %arg3[%swap3A_1291, %swap3A_1292], %broadcast_in_dim3A_1268 {strides = array<i32>} : memref<8x512xf32, #tpu.memory_space<vmem>>, vector<1x512xf32>,
    %swap3A_1294 = arith.constant 5 : index
    %swap3A_1295 = arith.constant 0 : index
    %swap3A_1296 = vector.load %arg3[%swap3A_1294, %swap3A_1295] : memref<8x512xf32, #tpu.memory_space<vmem>>, vector<1x512xf32>
    tpu.vector_store %arg3[%swap3A_1294, %swap3A_1295], %select_n3A_1278 {strides = array<i32>} : memref<8x512xf32, #tpu.memory_space<vmem>>, vector<1x512xf32>,
    %broadcast_in_dim3A_1297 = arith.constant 0.000000e+00 : f32
    %broadcast_in_dim3A_1298 = vector.broadcast %broadcast_in_dim3A_1297 : f32 to vector<1x512xf32>
    %swap3A_1299 = arith.constant 6 : index
    %swap3A_1300 = arith.constant 0 : index
    %swap3A_1301 = vector.load %arg3[%swap3A_1299, %swap3A_1300] : memref<8x512xf32, #tpu.memory_space<vmem>>, vector<1x512xf32>
    tpu.vector_store %arg3[%swap3A_1299, %swap3A_1300], %broadcast_in_dim3A_1298 {strides = array<i32>} : memref<8x512xf32, #tpu.memory_space<vmem>>, vector<1x512xf32>,
    %broadcast_in_dim3A_1302 = arith.constant 0.000000e+00 : f32
    %broadcast_in_dim3A_1303 = vector.broadcast %broadcast_in_dim3A_1302 : f32 to vector<1x512xf32>
    %swap3A_1304 = arith.constant 7 : index
    %swap3A_1305 = arith.constant 0 : index
    %swap3A_1306 = vector.load %arg3[%swap3A_1304, %swap3A_1305] : memref<8x512xf32, #tpu.memory_space<vmem>>, vector<1x512xf32>
    tpu.vector_store %arg3[%swap3A_1304, %swap3A_1305], %broadcast_in_dim3A_1303 {strides = array<i32>} : memref<8x512xf32, #tpu.memory_space<vmem>>, vector<1x512xf32>,
    %sub3A_1307 = arith.subf %broadcast_in_dim3A_1252, %broadcast_in_dim3A_1236 : vector<1x512xf32>
    %sub3A_1308 = arith.subf %broadcast_in_dim3A_1260, %broadcast_in_dim3A_1244 : vector<1x512xf32>
    %mul3A_1309 = arith.mulf %sub3A_1307, %sub3A_1308 : vector<1x512xf32>
    %get3A_1310 = arith.constant 0 : index
    %get3A_1311 = arith.constant 0 : index
    %get3A_1312 = vector.load %arg2[%get3A_1310, %get3A_1311] : memref<128x8xf32, #tpu.memory_space<vmem>>, vector<128x1xf32>
    %get3A_1313 = arith.constant 0 : index
    %get3A_1314 = arith.constant 1 : index
    %get3A_1315 = vector.load %arg2[%get3A_1313, %get3A_1314] : memref<128x8xf32, #tpu.memory_space<vmem>>, vector<128x1xf32>
    %get3A_1316 = arith.constant 0 : index
    %get3A_1317 = arith.constant 2 : index
    %get3A_1318 = vector.load %arg2[%get3A_1316, %get3A_1317] : memref<128x8xf32, #tpu.memory_space<vmem>>, vector<128x1xf32>
    %get3A_1319 = arith.constant 0 : index
    %get3A_1320 = arith.constant 3 : index
    %get3A_1321 = vector.load %arg2[%get3A_1319, %get3A_1320] : memref<128x8xf32, #tpu.memory_space<vmem>>, vector<128x1xf32>
    %get3A_1322 = arith.constant 0 : index
    %get3A_1323 = arith.constant 4 : index
    %get3A_1324 = vector.load %arg2[%get3A_1322, %get3A_1323] : memref<128x8xf32, #tpu.memory_space<vmem>>, vector<128x1xf32>
    %min3A_1325 = vector.broadcast %get3A_1318 : vector<128x1xf32> to vector<128x512xf32>
    %min3A_1326 = vector.broadcast %broadcast_in_dim3A_1252 : vector<1x512xf32> to vector<128x512xf32>
    %min3A_1327 = arith.minimumf %min3A_1325, %min3A_1326 : vector<128x512xf32>
    %max3A_1328 = vector.broadcast %get3A_1312 : vector<128x1xf32> to vector<128x512xf32>
    %max3A_1329 = vector.broadcast %broadcast_in_dim3A_1236 : vector<1x512xf32> to vector<128x512xf32>
    %max3A_1330 = arith.maximumf %max3A_1328, %max3A_1329 : vector<128x512xf32>
    %sub3A_1331 = arith.subf %min3A_1327, %max3A_1330 : vector<128x512xf32>
    %max3A_1332 = arith.constant 0.000000e+00 : f32
    %max3A_1333 = vector.broadcast %max3A_1332 : f32 to vector<128x512xf32>
    %max3A_1334 = arith.maximumf %sub3A_1331, %max3A_1333 : vector<128x512xf32>
    %min3A_1335 = vector.broadcast %get3A_1321 : vector<128x1xf32> to vector<128x512xf32>
    %min3A_1336 = vector.broadcast %broadcast_in_dim3A_1260 : vector<1x512xf32> to vector<128x512xf32>
    %min3A_1337 = arith.minimumf %min3A_1335, %min3A_1336 : vector<128x512xf32>
    %max3A_1338 = vector.broadcast %get3A_1315 : vector<128x1xf32> to vector<128x512xf32>
    %max3A_1339 = vector.broadcast %broadcast_in_dim3A_1244 : vector<1x512xf32> to vector<128x512xf32>
    %max3A_1340 = arith.maximumf %max3A_1338, %max3A_1339 : vector<128x512xf32>
    %sub3A_1341 = arith.subf %min3A_1337, %max3A_1340 : vector<128x512xf32>
    %max3A_1342 = arith.constant 0.000000e+00 : f32
    %max3A_1343 = vector.broadcast %max3A_1342 : f32 to vector<128x512xf32>
    %max3A_1344 = arith.maximumf %sub3A_1341, %max3A_1343 : vector<128x512xf32>
    %mul3A_1345 = arith.mulf %max3A_1334, %max3A_1344 : vector<128x512xf32>
    %add3A_1346 = vector.broadcast %get3A_1324 : vector<128x1xf32> to vector<128x512xf32>
    %add3A_1347 = vector.broadcast %mul3A_1309 : vector<1x512xf32> to vector<128x512xf32>
    %add3A_1348 = arith.addf %add3A_1346, %add3A_1347 : vector<128x512xf32>
    %sub3A_1349 = arith.subf %add3A_1348, %mul3A_1345 : vector<128x512xf32>
    %max3A_1350 = arith.constant 9.99999971E-10 : f32
    %max3A_1351 = vector.broadcast %max3A_1350 : f32 to vector<128x512xf32>
    %max3A_1352 = arith.maximumf %sub3A_1349, %max3A_1351 : vector<128x512xf32>
    %div3A_1353 = arith.divf %mul3A_1345, %max3A_1352 : vector<128x512xf32>
    %gt3A_1354 = arith.constant 0.000000e+00 : f32
    %gt3A_1355 = vector.broadcast %gt3A_1354 : f32 to vector<1x512xf32>
    %gt3A_1356 = arith.cmpf ogt, %select_n3A_1278, %gt3A_1355 : vector<1x512xf32>
    %jit3A_1357 = arith.constant 0.000000e+00 : f32
    %broadcast_in_dim3A_1358 = vector.shape_cast %gt3A_1356 : vector<1x512xi1> to vector<1x512xi1>
    %broadcast_in_dim3A_1359 = vector.broadcast %broadcast_in_dim3A_1358 : vector<1x512xi1> to vector<128x512xi1>
    %broadcast_in_dim3A_1360 = vector.broadcast %jit3A_1357 : f32 to vector<128x512xf32>
    %select_n3A_1361 = arith.select %broadcast_in_dim3A_1359, %div3A_1353, %broadcast_in_dim3A_1360 : vector<128x512xi1>, vector<128x512xf32>
    %reduce_max3A_1362 = arith.constant dense<0xFF800000> : vector<128xf32>
    %reduce_max3A_1363 = vector.multi_reduction <maximumf>, %select_n3A_1361, %reduce_max3A_1362 [1] : vector<128x512xf32> to vector<128xf32>
    %broadcast_in_dim3A_1364 = vector.shape_cast %reduce_max3A_1363 : vector<128xf32> to vector<128x1xf32>
    %broadcast_in_dim3A_1365 = vector.shape_cast %broadcast_in_dim3A_1364 : vector<128x1xf32> to vector<128x1xf32>
    %broadcast_in_dim3A_1366 = vector.broadcast %broadcast_in_dim3A_1365 : vector<128x1xf32> to vector<128x8xf32>
    %swap3A_1367 = arith.constant 0 : index
    %swap3A_1368 = arith.constant 0 : index
    %swap3A_1369 = vector.load %arg4[%swap3A_1367, %swap3A_1368] : memref<128x8xf32, #tpu.memory_space<vmem>>, vector<128x8xf32>
    tpu.vector_store %arg4[%swap3A_1367, %swap3A_1368], %broadcast_in_dim3A_1366 {strides = array<i32>} : memref<128x8xf32, #tpu.memory_space<vmem>>, vector<128x8xf32>,
    return
  }
}

</mosaic_0001>

<sc_bundles>
// kernel: kernel.4.cloned.1.call-start
scs
__scs_entry_jumppad:
0x0: {  	(pc) =	sbr.rel $0x88, $3  }
0x1: {  	(tag) =	ssettag $0x0;
	lr =	simm.s32 $0x1  }
0x2: {  	[smem:$0x3F9E] =	sst lr;
	_ =	strace $0xD0000000  }
0x3: {  	_ = 	snop  }
0x4: {  	_ = 	snop  }
0x5: {  	_ = 	snop  }
0x6: {  	_ = 	snop  }
0x7: {  	_ = 	snop  }
__scs_overlays_trampoline_lowered:
0x8: {  	[smem:$0x3FAD] =	sst s0  }
0x9: {  	[smem:$0x3FAE] =	sst s1  }
0xa: {  	[smem:$0x3FAF] =	sst s2  }
0xb: {  	[smem:$0x3FB0] =	sst s3  }
0xc: {  	[smem:$0x3FB1] =	sst s4  }
0xd: {  	[smem:$0x3FB2] =	sst s5  }
0xe: {  	[smem:$0x3FB3] =	sst s6  }
0xf: {  	[smem:$0x3FB4] =	sst s7  }
0x10: {  	[smem:$0x3FB5] =	sst s8  }
0x11: {  	[smem:$0x3FB6] =	sst s9;
	s0 =	simm.s32 @!p0 $0x0  }
0x12: {  	s1 =	sld [smem:$0x3F9C];
	s0 =	simm.s32 @p0 $0x1  }
0x13: {  	[smem:$0x3FB7] =	sst s0;
	s0 =	simm.s32 @!p1 $0x0  }
0x14: {  	s2 =	sld [smem:$0x3F9B];
	s0 =	simm.s32 @p1 $0x1  }
0x15: {  	[smem:$0x3FB8] =	sst s0;
	s0 =	simm.s32 @!p2 $0x0  }
0x16: {  	s3 =	sld [smem:$0x3FDB];
	s0 =	simm.s32 @p2 $0x1  }
0x17: {  	s4 =	simm.s32 $0x1BF5;
	[smem:$0x3FBA] =	sst s0  }
0x18: {  	s0 =	sld [smem:$0x3F9D];
	_ =	swait.ge [sflag:s4], $0x0  }
0x19: {  	s7 =	sld [smem:$0x3F9E]  }
0x1a: {  	s8 =	sadd.s32 $0xFFFFE003, lr  }
0x1b: {  	s9 =	sadd.s32 $0xFFFFFEF7, lr;
	s5 =	simm.s32 $0xFFFFFFFF;
	p2 =	slt.u32 s8, $0xFFFFF086  }
0x1c: {  	p1 =	slt.u32 s9, $0xF7A;
	s5 =	simm.s32 @!p2 $0x0  }
0x1d: {  	s5 =	simm.s32 @p1 $0x1;
	p0 =	seq.s32 s7, s2  }
0x1e: {  	s7 =	smul.u32 @!p0 $0xF7A, s2;
	p2 =	seq.s32 @!p0 s5, $0x0  }
0x1f: {  	s9 =	smul.u32 $0xF7A, s1;
	s8 =	simm.s32 @!p0 $0x1BF5;
	p2 =	por !p2, p0  }
0x20: {  	[sflag:s8] =	ssyncset.s32 @!p0 $0xFFFFF086;
	s6 =	sadd.s32 @!p0 s3, s7;
	s7 =	simm.s32 @!p0 $0x108  }
0x21: {  	s3 =	sadd.s32 s3, s9;
	s6 =	sadd.s32 @!p0 $0x88, s6;
	s7 =	simm.s32 @p2 $0x1082  }
0x22: {  	[simem:s7], [sflag:s8] =	dma.local @!p0 [hbm:s6], $0xF7A  }
0x23: {  	s9 =	sor.u32 $0xD0000000, s2;
	s6 =	simm.s32 $0x108;
	_ =	swait.ge @!p0 [sflag:s8], $0x0  }
0x24: {  	s3 =	sadd.s32 $0x88, s3;
	s6 =	simm.s32 @!p1 $0x1082;
	[sflag:s4] =	ssyncset.s32 $0xFFFFF086  }
0x25: {  	[simem:s6], [sflag:s4] =	dma.local [hbm:s3], $0xF7A  }
0x26: {  	[smem:$0x3F9E] =	sst s1;
	(tag) =	ssettag s2;
	_ =	strace s9  }
0x27: {  	s1 =	sld [smem:$0x3FAE]  }
0x28: {  	s2 =	sld [smem:$0x3FAF]  }
0x29: {  	s4 =	sld [smem:$0x3FB1]  }
0x2a: {  	p0 =	seq.s32 s5, $0x0;
	s5 =	sld [smem:$0x3FB2]  }
0x2b: {  	s6 =	sld [smem:$0x3FB3]  }
0x2c: {  	s7 =	sld [smem:$0x3FB4]  }
0x2d: {  	s3 =	simm.s32 $0x108;
	s8 =	sld [smem:$0x3FB5]  }
0x2e: {  	s3 =	simm.s32 @!p0 $0x1082;
	s9 =	sld [smem:$0x3FB6]  }
0x2f: {  	lr =	sadd.s32 s0, s3;
	s0 =	sld [smem:$0x3FAD]  }
0x30: {  	s3 =	sld [smem:$0x3FB0]  }
0x31: {  	[smem:$0x3FB9] =	sst s10  }
0x32: {  	s10 =	sld [smem:$0x3FB7];
	_ =	sdelay $0x3  }
0x33: {  	p0 =	seq.s32 s10, $0x1;
	s10 =	sld [smem:$0x3FB9];
	_ =	sdelay $0x3  }
0x34: {  	[smem:$0x3FB9] =	sst s10  }
0x35: {  	s10 =	sld [smem:$0x3FB8];
	_ =	sdelay $0x3  }
0x36: {  	p1 =	seq.s32 s10, $0x1;
	s10 =	sld [smem:$0x3FB9];
	_ =	sdelay $0x3  }
0x37: {  	[smem:$0x3FB9] =	sst s10  }
0x38: {  	s10 =	sld [smem:$0x3FBA]  }
0x39: {  	_ = 	snop;
	(pc) =	sbr.ind lr, $3  }
0x3a: {  	_ = 	snop  }
0x3b: {  	_ = 	snop  }
0x3c: {  	p2 =	seq.s32 s10, $0x1;
	s10 =	sld [smem:$0x3FB9]  }
0x3d: {  	_ =	shalt  }
0x3e: {  	_ =	shalt  }
0x3f: {  	_ =	shalt  }
0x40: {  	_ =	shalt  }
0x41: {  	_ =	shalt  }
0x42: {  	_ =	shalt  }
0x43: {  	_ =	shalt  }
0x44: {  	_ =	shalt  }
0x45: {  	_ =	shalt  }
0x46: {  	_ =	shalt  }
0x47: {  	_ =	shalt  }
0x48: {  	_ =	shalt  }
0x49: {  	_ =	shalt  }
0x4a: {  	_ =	shalt  }
0x4b: {  	_ =	shalt  }
0x4c: {  	_ =	shalt  }
0x4d: {  	_ =	shalt  }
0x4e: {  	_ =	shalt  }
0x4f: {  	_ =	shalt  }
0x50: {  	_ =	shalt  }
0x51: {  	_ =	shalt  }
0x52: {  	_ =	shalt  }
0x53: {  	_ =	shalt  }
0x54: {  	_ =	shalt  }
0x55: {  	_ =	shalt  }
0x56: {  	_ =	shalt  }
0x57: {  	_ =	shalt  }
0x58: {  	_ =	shalt  }
0x59: {  	_ =	shalt  }
0x5a: {  	_ =	shalt  }
0x5b: {  	_ =	shalt  }
0x5c: {  	_ =	shalt  }
0x5d: {  	_ =	shalt  }
0x5e: {  	_ =	shalt  }
0x5f: {  	_ =	shalt  }
0x60: {  	_ =	shalt  }
0x61: {  	_ =	shalt  }
0x62: {  	_ =	shalt  }
0x63: {  	_ =	shalt  }
0x64: {  	_ =	shalt  }
0x65: {  	_ =	shalt  }
0x66: {  	_ =	shalt  }
0x67: {  	_ =	shalt  }
0x68: {  	_ =	shalt  }
0x69: {  	_ =	shalt  }
0x6a: {  	_ =	shalt  }
0x6b: {  	_ =	shalt  }
0x6c: {  	_ =	shalt  }
0x6d: {  	_ =	shalt  }
0x6e: {  	_ =	shalt  }
0x6f: {  	_ =	shalt  }
0x70: {  	_ =	shalt  }
0x71: {  	_ =	shalt  }
0x72: {  	_ =	shalt  }
0x73: {  	_ =	shalt  }
0x74: {  	_ =	shalt  }
0x75: {  	_ =	shalt  }
0x76: {  	_ =	shalt  }
0x77: {  	_ =	shalt  }
0x78: {  	_ =	shalt  }
0x79: {  	_ =	shalt  }
0x7a: {  	_ =	shalt  }
0x7b: {  	_ =	shalt  }
0x7c: {  	_ =	shalt  }
0x7d: {  	_ =	shalt  }
0x7e: {  	_ =	shalt  }
0x7f: {  	_ =	shalt  }
0x80: {  	_ =	shalt  }
0x81: {  	_ =	shalt  }
0x82: {  	_ =	shalt  }
0x83: {  	_ =	shalt  }
0x84: {  	_ =	shalt  }
0x85: {  	_ =	shalt  }
0x86: {  	_ =	shalt  }
0x87: {  	_ =	shalt  }
.Lfunc_end0:
.L_simem_size_0:
called_computation_lowered:
.L_overlay_start_0:
0x88: {  	s2 =	sld [smem:$0x3FD9]  }
0x89: {  	s3 =	sld [smem:$0x3FFE];
	_ =	sdelay $0x1  }
0x8a: {  	s1 =	srdreg.scid  }
0x8b: {  	s0 =	sand.u32 $0x1, s1  }
0x8c: {  	s17 =	sshll.u32 s0, $0xA;
	s2 =	sadd.s32 s3, s2  }
0x8d: {  	s2 =	sadd.s32 s2, s17  }
0x8e: {  	[smem:$0x3FC5] =	sst s2  }
0x8f: {  	_ = 	snop  }
0x90: {  	s2 =	sld [smem:$0x3FD0];
	(tm) =	ssettm $0x1  }
0x91: {  	s18 =	sld [smem:$0x3FFB];
	_ =	sdelay $0x3  }
0x92: {  	_ =	strace s18  }
0x93: {  	s3 =	sld [smem:$0x3FFC];
	_ =	sdelay $0x3  }
0x94: {  	_ =	strace s3  }
0x95: {  	s3 =	sld [smem:$0x3FFD];
	_ =	sdelay $0x3  }
0x96: {  	_ =	strace s3  }
0x97: {  	_ =	strace $0x8FFFFFFF  }
0x98: {  	s19 =	sld [smem:$0x3FDB];
	_ =	sdelay $0x1  }
0x99: {  	s4 =	simm.s32 $_scs_section_size  }
0x9a: {  	s5 =	simm.s32 $_size__tile_overlayer_lowered;
	s6 =	simm.s32 $_tile_overlayer_lowered  }
0x9b: {  	s22 =	simm.s32 $0x1BFF;
	s21 =	sshll.u32 s6, $0x1;
	s3 =	sadd.s32 s4, s19  }
0x9c: {  	s7 =	simm.s32 $0x0;
	s20 =	sshll.u32 s5, $0x1;
	s5 =	sadd.s32 s21, s3  }
0x9d: {  	[timem:s7], [sflag:s22] =	dma.local [hbm:s5], s20  }
0x9e: {  	_ =	swait.ge [sflag:s22], s20  }
0x9f: {  	s4 =	ssub.s32 $0x0, s20;
	[sflag:s22] =	ssyncset.done $0x0  }
0xa0: {  	[sflag:s22] =	ssyncadd.s32 s4;
	_ =	sdelay $0x1  }
0xa1: {  	s23 =	simm.s32 $0x1B8B  }
0xa2: {  	_ =	swait.ge [sflag:s23], $0x1  }
0xa3: {  	[sflag:s23] =	ssyncset.done $0x0  }
0xa4: {  	s25 =	simm.s32 $0x1B8E;
	s24 =	sld [smem:$0x3FFE];
	[sflag:s23] =	ssyncadd.s32 $0xFFFFFFFF  }
0xa5: {  	s26 =	simm.s32 $execute0_lowered;
	[smem:$0x3FD2] =	sst s25  }
0xa6: {  	s5 =	sshll.u32 s26, $0x1;
	_ =	strace $0x80000046;
	[dreg:$0x1] =	wrdreg $0xFFFFFFFF  }
0xa7: {  	s28 =	simm.s32 $_size_execute0_lowered;
	s3 =	sadd.s32 s3, s5;
	[dreg:$0x0] =	wrdreg $0x0  }
0xa8: {  	s5 =	sshll.u32 s28, $0x1;
	[dreg:$0x2] =	wrdreg s3  }
0xa9: {  	[dreg:$0x3] =	wrdreg s5  }
0xaa: {  	[dreg:$0x4] =	wrdreg $0xC0  }
0xab: {  	_ =	task [dreg:s7], $0x5FFFF  }
0xac: {  	[dreg:$0x1] =	wrdreg $0xFFFFFFFF  }
0xad: {  	[dreg:$0x0] =	wrdreg $0x60  }
0xae: {  	[dreg:$0x2] =	wrdreg s24  }
0xaf: {  	[dreg:$0x3] =	wrdreg s2  }
0xb0: {  	[dreg:$0x4] =	wrdreg $0x9  }
0xb1: {  	_ =	task.clear_ibuf [dreg:s7], $0x5FFFF;
	_ =	strace $0x90000046  }
0xb2: {  	s29 =	simm.s32 $0x9;
	_ =	strace $0x80000048  }
0xb3: {  	_ =	swait.ge [sflag:s29], $0x1  }
0xb4: {  	[sflag:s29] =	ssyncadd.s32 $0xFFFFFFFF  }
0xb5: {  	_ =	strace $0x90000048  }
0xb6: {  	_ =	sfence  }
0xb7: {  	s30 =	sld [smem:$0x0];
	_ =	sdelay $0x2  }
0xb8: {  	s31 =	sshll.u32 s1, $0xD;
	s1 =	sshrl.u32 s1, $0x2  }
0xb9: {  	s3 =	sand.u32 $0x4000, s31;
	s1 =	sadd.s32 s1, s30  }
0xba: {  	s0 =	sor.u32 s3, s0;
	s1 =	sshll.u32 s1, $0x11  }
0xbb: {  	s0 =	sor.u32 s1, s0  }
0xbc: {  	s0 =	sadd.s32 $0x8F2B, s0  }
0xbd: {  	[sflag:s0] =	ssyncadd.remote.s32 $0x1  }
0xbe: {  	_ =	sfence.sel $0xFFFF  }
0xbf: {  	[dreg:$0x0] =	wrdreg $0xFFFFFFFF;
	(pc) =	sbr.abs _section_cstart, $3  }
0xc0: {  	[dreg:$0x1] =	wrdreg $0xFFFFFFFF  }
0xc1: {  	_ =	task.clear_ibuf [dreg:s7], $0x2FFFF;
	_ =	strace $0x9FFFFFFF  }
0xc2: {  	(tm) =	ssettm $0x7FFFFFFF  }
0xc3: {  	_ =	shalt  }
tec
execute0_lowered:
.L_overlay_start_1:
0x0: {  	(tag) =	ssettag $0x1  }
0x1: {  	s1 =	srdreg.scid;
	s2 =	rddreg [dreg:$0x0]  }
0x2: {  	s0 =	stileid.u32;
	s4 =	rddreg [dreg:$0x1];
	s6 =	sand.u32 $0x1, s1  }
0x3: {  	s3 =	simm.s32 $0x0;
	s5 =	sshll.u32 s0, $0x7;
	s7 =	sshll.u32 s6, $0x6  }
0x4: {  	[smem:$0x7FF] =	sst s3;
	s8 =	sor.u32 s7, s5  }
0x5: {  	s1 =	rddreg [dreg:$0x2];
	_ =	strace $0x80000047;
	s5 =	sshrl.u32 s8, $0x3  }
0x6: {  	s9 =	ssub.s32 $0x2, s6;
	s5 =	sadd.s32 s4, s5;
	s4 =	simm.s32 $0x2  }
0x7: {  	[tilespmem:s3], [sflag:$0x2] =	stream.linear.gather [hbm4b:s5+s3], $0x40, $0x38;
	[tilespmem:$0x440] =	vst v63  }
0x8: {  	s10 =	sshrl.u32 s9, $0x1;
	_ =	swait.ge [sflag:s4], $0x40  }
0x9: {  	s6 =	simm.s32 $0x40;
	s9 =	ssub.s32 s9, s10;
	[sflag:s4] =	ssyncset.done $0x0  }
0xa: {  	s7 =	simm.s32 $0x1;
	s9 =	smax.u32 s9, $0x1;
	[sflag:s4] =	ssyncadd.s32 $0xFFFFFFC0  }
0xb: {  	[tilespmem:s6], [sflag:$0x1] =	stream.indirect.gather [hbm4b:s2+s6], $0x10, s3, s6, $0xb8;
	[tilespmem:$0x440] =	vst v63  }
0xc: {  	s8 =	sshll.u32 s8, $0x1;
	p0 =	sne.s32 s9, $0x1;
	_ =	swait.ge [sflag:s7], $0x400  }
.Ltmp0:
0xd: {  	s8 =	sadd.s32 s8, s2;
	[sflag:s7] =	ssyncset.done $0x0;
	(pc) =	sbr.rel @!p0 .LBB2_2-.Ltmp0, $4  }
0xe: {  	s8 =	sadd.s32 $0x9E00, s8;
	[sflag:s7] =	ssyncadd.s32 $0xFFFFFC00  }
0xf: {  	[hbm4b:s8+s3] =	stream.linear.scatter [tilespmem:s6], [sflag:$0x2], $0x400, $0x38;
	[tilespmem:$0x440] =	vst v63  }
0x10: {  	_ =	swait.ge [sflag:s4], $0x400  }
0x11: {  	s9 =	sadd.s32 $0xFFFFFFFF, s9;
	[sflag:s4] =	ssyncset.done $0x0  }
.LBB2_1:
0x12: {  	p0 =	sne.s32 s9, $0x1;
	s9 =	sadd.s32 $0xFFFFFFFF, s9;
	[sflag:s4] =	ssyncadd.s32 $0xFFFFFC00  }
0x13: {  	[tilespmem:s3], [sflag:$0x2] =	stream.linear.gather [hbm4b:s5+s3], $0x40, $0x38;
	[tilespmem:$0x440] =	vst v63  }
0x14: {  	_ =	swait.ge [sflag:s4], $0x40  }
0x15: {  	[sflag:s4] =	ssyncset.done $0x0  }
0x16: {  	[sflag:s4] =	ssyncadd.s32 $0xFFFFFFC0  }
0x17: {  	[tilespmem:s6], [sflag:$0x1] =	stream.indirect.gather [hbm4b:s2+s6], $0x10, s3, s6, $0xb8;
	[tilespmem:$0x440] =	vst v63  }
0x18: {  	_ =	swait.ge [sflag:s7], $0x400  }
.Ltmp1:
0x19: {  	[sflag:s7] =	ssyncset.done $0x0;
	(pc) =	sbr.rel @p0 .LBB2_1-.Ltmp1, $4  }
0x1a: {  	[sflag:s7] =	ssyncadd.s32 $0xFFFFFC00  }
0x1b: {  	[hbm4b:s8+s3] =	stream.linear.scatter [tilespmem:s6], [sflag:$0x2], $0x400, $0x38;
	[tilespmem:$0x440] =	vst v63  }
0x1c: {  	_ =	swait.ge [sflag:s4], $0x400  }
0x1d: {  	[sflag:s4] =	ssyncset.done $0x0  }
.LBB2_2:
0x1e: {  	[sflag:s4] =	ssyncadd.s32 $0xFFFFFC00  }
0x1f: {  	_ =	sfence.sel $0x180000  }
0x20: {  	[bflag:$0x0] =	sbarrier.arrive $0xFFFF  }
0x21: {  	p0 =	sne.s32 s0, $0x0;
	_ =	strace $0x90000047  }
0x22: {  	s0 =	sadd.s32 @!p0 $0x100000, s1;
	[bflag:$0x2] =	sbarrier.arrive $0xFFFF  }
0x23: {  	[sflag:s0] =	ssyncadd.tile.s32 @!p0 $0x1;
	_ =	shalt  }
.Lfunc_end2:
_tile_overlayer_lowered:
.L_overlay_start_2:
0x24: {  	(tag) =	ssettag $0x2  }
0x25: {  	s0 =	rddreg [dreg:$0x0];
	s2 =	stileid.u32  }
0x26: {  	s1 =	rddreg [dreg:$0x1];
	p0 =	sne.s32 s2, $0x0  }
0x27: {  	s3 =	rddreg [dreg:$0x2];
	[bflag:$0x3] =	sbarrier.arrive $0xFFFF;
	s2 =	simm.s32 @!p0 $0x1C02  }
0x28: {  	[timem:s3], [sflag:s2] =	dma.local @!p0 [hbm:s0], s1  }
0x29: {  	s0 =	simm.s32 @!p0 $0x2  }
0x2a: {  	_ =	swait.ge @!p0 [sflag:s0], s1  }
0x2b: {  	s1 =	ssub.s32 @!p0 $0x0, s1;
	[sflag:s0] =	ssyncset.done @!p0 $0x0  }
0x2c: {  	[sflag:s0] =	ssyncadd.s32 @!p0 s1  }
0x2d: {  	[bflag:$0x3] =	sbarrier.arrive $0xFFFF  }
0x2e: {  	_ =	shalt  }

</sc_bundles>
